<compile_context>
chip_gen: v7x
topology: tpu7x:2x2x1
jax: 0.10.2.dev20260603
libtpu: 0.0.44.dev20260713+nightly
codegen_flags: <defaults>
</compile_context>

<pallas_src>
import functools

import jax
import jax.numpy as jnp
from jax import lax
from jax.experimental import pallas as pl
from jax.experimental.pallas import tpu as pltpu
from jax.experimental.pallas import tpu_sc as plsc

N = 16384
C = 1000
K = 4096

NSC = 4096
NTC = N - NSC

NC, NS, L = 2, 16, 16
NW = NC * NS
PER_W = NSC // NW
G = 16
NGRP = PER_W // G
NVR = C // L
TAIL_OFF = C - L

BLK = 2048
GRID = NTC // BLK


def _sc_body(pred_hbm, tgt_hbm, sum_hbm, tl_hbm, bufs, tgt_v, sum_v, tl_v, sems):
    wid = lax.axis_index("s") * NC + lax.axis_index("c")
    base = wid * PER_W
    pltpu.sync_copy(tgt_hbm.at[pl.ds(base, PER_W)], tgt_v)
    lane = lax.iota(jnp.int32, L)
    tail_mask = lane >= (2 * L - C % L)

    def _copy(g, slot):
        return pltpu.make_async_copy(
            pred_hbm.at[pl.ds(base + g * G, G), :],
            bufs.at[pl.ds(slot * G, G), :],
            sems.at[slot],
        )

    _copy(0, 0).start()
    _copy(1, 1).start()

    def group(g, carry):
        slot = lax.rem(g, 2)
        _copy(g, slot).wait()
        row0 = slot * G

        def row(r, carry2):
            tgc = jnp.maximum(tgt_v[pl.ds(g * G, G)], 0)
            tsp = lax.gather(
                tgc,
                (jnp.zeros((L,), jnp.int32) + r)[:, None],
                lax.GatherDimensionNumbers(
                    offset_dims=(),
                    collapsed_slice_dims=(0,),
                    start_index_map=(0,),
                ),
                (1,),
                mode=lax.GatherScatterMode.PROMISE_IN_BOUNDS,
            )
            acc = jnp.zeros((L,), jnp.float32)
            tacc = jnp.zeros((L,), jnp.float32)
            for v in range(NVR):
                x = bufs[row0 + r, pl.ds(v * L, L)]
                acc = acc + jnp.exp(x)
                tacc = tacc + jnp.where(lane + (v * L) == tsp, x, 0.0)
            xt = bufs[row0 + r, pl.ds(TAIL_OFF, L)]
            acc = acc + jnp.where(tail_mask, jnp.exp(xt), 0.0)
            tacc = tacc + jnp.where(
                jnp.logical_and(tail_mask, lane + TAIL_OFF == tsp), xt, 0.0
            )
            sum_v[pl.ds((g * G + r) * L, L)] = acc
            tl_v[pl.ds((g * G + r) * L, L)] = tacc
            return carry2

        lax.fori_loop(0, G, row, jnp.int32(0))

        @pl.when(g + 2 < NGRP)
        def _refill():
            _copy(g + 2, slot).start()

        return carry

    lax.fori_loop(0, NGRP, group, jnp.int32(0))
    pltpu.sync_copy(sum_v, sum_hbm.at[pl.ds(base * L, PER_W * L)])
    pltpu.sync_copy(tl_v, tl_hbm.at[pl.ds(base * L, PER_W * L)])


@functools.cache
def _sc_kernel():
    return pl.kernel(
        _sc_body,
        mesh=plsc.VectorSubcoreMesh(
            core_axis_name="c", subcore_axis_name="s", num_cores=NC, num_subcores=NS
        ),
        out_type=(
            jax.ShapeDtypeStruct((NSC * L,), jnp.float32),
            jax.ShapeDtypeStruct((NSC * L,), jnp.float32),
        ),
        scratch_types=[
            pltpu.VMEM((2 * G, C), jnp.float32),
            pltpu.VMEM((PER_W,), jnp.int32),
            pltpu.VMEM((PER_W * L,), jnp.float32),
            pltpu.VMEM((PER_W * L,), jnp.float32),
            pltpu.SemaphoreType.DMA((2,)),
        ],
    )


def _tc_main_body(pred_ref, tgt_ref, ce_ref):
    x = pred_ref[...]
    lse = jnp.log(jnp.sum(jnp.exp(x), axis=1))
    tgt = tgt_ref[0, 0, :]
    col = lax.broadcasted_iota(jnp.int32, (BLK, C), 1)
    tl = jnp.sum(jnp.where(col == tgt[:, None], x, 0.0), axis=1)
    ce = jnp.where(tgt == -1, 0.0, lse - tl)
    ce_ref[0, 0, :] = ce


def _tc_main(pred, target):
    off = NSC // BLK
    ce = pl.pallas_call(
        _tc_main_body,
        grid=(GRID,),
        in_specs=[
            pl.BlockSpec((BLK, C), lambda i: (i + off, 0)),
            pl.BlockSpec((1, 1, BLK), lambda i: (i + off, 0, 0)),
        ],
        out_specs=pl.BlockSpec((1, 1, BLK), lambda i: (i, 0, 0)),
        out_shape=jax.ShapeDtypeStruct((GRID, 1, BLK), jnp.float32),
    )(pred, target.reshape(N // BLK, 1, BLK))
    return ce.reshape(NTC)


def _tc_tail_body(s_ref, tl_ref, ce_ref, out_ref):
    sp = s_ref[...]
    tp = tl_ref[...]
    for sh in (1, 2, 4, 8):
        sp = sp + pltpu.roll(sp, 128 - sh, 1)
        tp = tp + pltpu.roll(tp, 128 - sh, 1)
    lanecol = lax.broadcasted_iota(jnp.int32, (NSC * L // 128, 128), 1)
    mask = lax.rem(lanecol, L) == 0
    a = jnp.where(mask, jnp.log(sp) - tp, 0.0)
    b = ce_ref[...]
    abits = lax.bitcast_convert_type(a, jnp.int32)
    bbits = lax.bitcast_convert_type(b, jnp.int32)

    def body(j, t):
        cand = t | lax.shift_left(jnp.int32(1), jnp.int32(30) - j)
        cnt = jnp.sum(jnp.where(abits >= cand, 1, 0)) + jnp.sum(
            jnp.where(bbits >= cand, 1, 0)
        )
        return jnp.where(cnt >= K, cand, t)

    t = lax.fori_loop(0, 31, body, jnp.int32(0))
    ga, gb = abits > t, bbits > t
    cnt_gt = jnp.sum(jnp.where(ga, 1, 0)) + jnp.sum(jnp.where(gb, 1, 0))
    sum_gt = jnp.sum(jnp.where(ga, a, 0.0)) + jnp.sum(jnp.where(gb, b, 0.0))
    thr = lax.bitcast_convert_type(t, jnp.float32)
    total = sum_gt + (jnp.int32(K) - cnt_gt).astype(jnp.float32) * thr
    out_ref[0, 0] = total / jnp.float32(K)


def _tc_tail(sumexp, tl, ce_tc):
    out = pl.pallas_call(
        _tc_tail_body,
        grid=(1,),
        in_specs=[
            pl.BlockSpec((NSC * L // 128, 128), lambda i: (0, 0)),
            pl.BlockSpec((NSC * L // 128, 128), lambda i: (0, 0)),
            pl.BlockSpec((NTC // 128, 128), lambda i: (0, 0)),
        ],
        out_specs=pl.BlockSpec(memory_space=pltpu.SMEM),
        out_shape=jax.ShapeDtypeStruct((1, 1), jnp.float32),
    )(
        sumexp.reshape(NSC * L // 128, 128),
        tl.reshape(NSC * L // 128, 128),
        ce_tc.reshape(NTC // 128, 128),
    )
    return out[0, 0]


def kernel(pred, target, epoch):
    sumexp, tl = _sc_kernel()(pred, target)
    ce_tc = _tc_main(pred, target)
    return _tc_tail(sumexp, tl, ce_tc)

# --- scband reference (transcript-rebuilt; emitter-appended) ---
"""Pipeline reference for scband-ohemloss-40080634806747 (READ-ONLY COPY).

The authoritative reference and input builder live on the scoring server;
editing this copy changes nothing except your own understanding.
"""

import jax, jax.numpy as jnp
import numpy as np

BATCH_SIZE = 4096   # OHEM keep budget (init arg batch_size)
INIT_EPOCH = 0      # init arg init_epoch


def setup_inputs(seed: int = 0) -> dict:
    key = jax.random.key(seed)
    k1, k2 = jax.random.split(key)
    pred = jax.random.normal(k1, (16384, 1000), dtype=jnp.float32)
    target = jax.random.randint(k2, (16384,), 0, 1000, dtype=jnp.int32)
    return {"pred": pred, "target": target, "epoch": 3}


def _per_sample_ce(pred, target):
    # F.cross_entropy(pred, target, reduction='none', ignore_index=-1)
    lse = jax.scipy.special.logsumexp(pred, axis=-1)
    safe_tgt = jnp.maximum(target, 0)
    tgt_logit = jnp.take_along_axis(pred, safe_tgt[:, None], axis=-1)[:, 0]
    ce = lse - tgt_logit
    return jnp.where(target == -1, 0.0, ce)


def reference(pred, target, epoch):
    # epoch (3) >= INIT_EPOCH (0), so the OHEM branch is taken; criterion unused.
    ohem_loss = _per_sample_ce(pred, target)
    n = ohem_loss.shape[0]
    keep_num = min(n, BATCH_SIZE)
    # torch.sort(descending=True) then slice [:keep_num] == top_k by value
    sorted_loss, idx = jax.lax.top_k(ohem_loss, n)
    if keep_num < n:
        ohem_loss = sorted_loss[:keep_num]
    return ohem_loss.sum() / keep_num

if __name__ == "__main__":
    import jax
    _d = setup_inputs()
    print(jax.jit(kernel)(*tuple(_d.values())))

</pallas_src>

<mosaic_0001>
#map = affine_map<(d0, d1) -> (0, 0)>
#map1 = affine_map<(d0, d1) -> (0)>
module attributes {stable_mosaic.version = 14 : i64} {
  func.func @_sc_body(%arg0: i32, %arg1: i32, %arg2: memref<16384x1000xf32, #tpu.memory_space<hbm>>, %arg3: memref<16384xi32, #tpu.memory_space<hbm>>, %arg4: memref<65536xf32, #tpu.memory_space<hbm>>, %arg5: memref<65536xf32, #tpu.memory_space<hbm>>, %arg6: memref<32x1000xf32, #tpu.memory_space<vmem>>, %arg7: memref<128xi32, #tpu.memory_space<vmem>>, %arg8: memref<2048xf32, #tpu.memory_space<vmem>>, %arg9: memref<2048xf32, #tpu.memory_space<vmem>>, %arg10: memref<2x!tpu.dma_semaphore, #tpu.memory_space<semaphore_mem>>) attributes {dimension_semantics = [#tpu.dimension_semantics<core_parallel>, #tpu.dimension_semantics<subcore_parallel>], iteration_bounds = array<i64: 2, 16>, scalar_prefetch = 0 : i64, scratch_operands = 5 : i64, tpu.core_type = #tpu.core_type<sc_vector_subcore>, window_params = [{transform_indices = #map}, {transform_indices = #map1}, {transform_indices = #map1}, {transform_indices = #map1}]} {
    %mul3A = arith.constant 2 : i32
    %mul3A_0 = arith.muli %arg1, %mul3A : i32
    %add3A = arith.addi %mul3A_0, %arg0 : i32
    %mul3A_1 = arith.constant 128 : i32
    %mul3A_2 = arith.muli %add3A, %mul3A_1 : i32
    "tpu.region"() ({
      %run_scoped3A = tpu.sem_alloc : memref<!tpu.dma_semaphore, #tpu.memory_space<semaphore_mem>>
      %dma_start3A_43 = tpu.memref_slice %arg3[%mul3A_2] : memref<16384xi32, #tpu.memory_space<hbm>> -> memref<128xi32, #tpu.memory_space<hbm>>
      %dma_start3A_44 = tpu.memref_slice %arg3[%mul3A_2] : memref<16384xi32, #tpu.memory_space<hbm>> -> memref<128xi32, #tpu.memory_space<hbm>>
      tpu.enqueue_dma source(%dma_start3A_44 : memref<128xi32, #tpu.memory_space<hbm>>) target(%arg7 : memref<128xi32, #tpu.memory_space<vmem>>) target_semaphore(%run_scoped3A : memref<!tpu.dma_semaphore, #tpu.memory_space<semaphore_mem>>)
      %dma_wait3A = tpu.memref_slice %arg3[%mul3A_2] : memref<16384xi32, #tpu.memory_space<hbm>> -> memref<128xi32, #tpu.memory_space<hbm>>
      %dma_wait3A_45 = tpu.memref_slice %arg3[%mul3A_2] : memref<16384xi32, #tpu.memory_space<hbm>> -> memref<128xi32, #tpu.memory_space<hbm>>
      tpu.wait_dma2 semaphore(%run_scoped3A : memref<!tpu.dma_semaphore, #tpu.memory_space<semaphore_mem>>) src(%dma_wait3A_45 : memref<128xi32, #tpu.memory_space<hbm>>) dst(%arg7 : memref<128xi32, #tpu.memory_space<vmem>>)
      tpu.yield
    }) : () -> ()
    %iota3A = tpu.iota {dimensions = array<i32: 0>} : vector<16xi32>
    %ge3A = arith.constant 24 : i32
    %ge3A_3 = vector.broadcast %ge3A : i32 to vector<16xi32>
    %ge3A_4 = arith.cmpi sge, %iota3A, %ge3A_3 : vector<16xi32>
    %add3A_5 = arith.constant 0 : i32
    %add3A_6 = arith.addi %mul3A_2, %add3A_5 : i32
    %dma_start3A = arith.constant 0 : i32
    %dma_start3A_7 = arith.constant 0 : i32
    %dma_start3A_8 = arith.constant 0 : i32
    %dma_start3A_9 = tpu.memref_slice %arg6[%dma_start3A_7, %dma_start3A_8] : memref<32x1000xf32, #tpu.memory_space<vmem>> -> memref<16x1000xf32, #tpu.memory_space<vmem>>
    %dma_start3A_10 = arith.constant 0 : i32
    %dma_start3A_11 = tpu.memref_slice %arg2[%add3A_6, %dma_start3A_10] : memref<16384x1000xf32, #tpu.memory_space<hbm>> -> memref<16x1000xf32, #tpu.memory_space<hbm>>
    %dma_start3A_12 = tpu.memref_slice %arg10[%dma_start3A] : memref<2x!tpu.dma_semaphore, #tpu.memory_space<semaphore_mem>> -> memref<1x!tpu.dma_semaphore, #tpu.memory_space<semaphore_mem>>
    %dma_start3A_13 = tpu.memref_squeeze %dma_start3A_12 : memref<1x!tpu.dma_semaphore, #tpu.memory_space<semaphore_mem>> -> memref<!tpu.dma_semaphore, #tpu.memory_space<semaphore_mem>>
    %dma_start3A_14 = arith.constant 0 : i32
    %dma_start3A_15 = arith.constant 0 : i32
    %dma_start3A_16 = tpu.memref_slice %arg6[%dma_start3A_14, %dma_start3A_15] : memref<32x1000xf32, #tpu.memory_space<vmem>> -> memref<16x1000xf32, #tpu.memory_space<vmem>>
    %dma_start3A_17 = arith.constant 0 : i32
    %dma_start3A_18 = tpu.memref_slice %arg2[%add3A_6, %dma_start3A_17] : memref<16384x1000xf32, #tpu.memory_space<hbm>> -> memref<16x1000xf32, #tpu.memory_space<hbm>>
    tpu.enqueue_dma source(%dma_start3A_18 : memref<16x1000xf32, #tpu.memory_space<hbm>>) target(%dma_start3A_16 : memref<16x1000xf32, #tpu.memory_space<vmem>>) target_semaphore(%dma_start3A_13 : memref<!tpu.dma_semaphore, #tpu.memory_space<semaphore_mem>>)
    %add3A_19 = arith.constant 16 : i32
    %add3A_20 = arith.addi %mul3A_2, %add3A_19 : i32
    %dma_start3A_21 = arith.constant 1 : i32
    %dma_start3A_22 = arith.constant 16 : i32
    %dma_start3A_23 = arith.constant 0 : i32
    %dma_start3A_24 = tpu.memref_slice %arg6[%dma_start3A_22, %dma_start3A_23] : memref<32x1000xf32, #tpu.memory_space<vmem>> -> memref<16x1000xf32, #tpu.memory_space<vmem>>
    %dma_start3A_25 = arith.constant 0 : i32
    %dma_start3A_26 = tpu.memref_slice %arg2[%add3A_20, %dma_start3A_25] : memref<16384x1000xf32, #tpu.memory_space<hbm>> -> memref<16x1000xf32, #tpu.memory_space<hbm>>
    %dma_start3A_27 = tpu.memref_slice %arg10[%dma_start3A_21] : memref<2x!tpu.dma_semaphore, #tpu.memory_space<semaphore_mem>> -> memref<1x!tpu.dma_semaphore, #tpu.memory_space<semaphore_mem>>
    %dma_start3A_28 = tpu.memref_squeeze %dma_start3A_27 : memref<1x!tpu.dma_semaphore, #tpu.memory_space<semaphore_mem>> -> memref<!tpu.dma_semaphore, #tpu.memory_space<semaphore_mem>>
    %dma_start3A_29 = arith.constant 16 : i32
    %dma_start3A_30 = arith.constant 0 : i32
    %dma_start3A_31 = tpu.memref_slice %arg6[%dma_start3A_29, %dma_start3A_30] : memref<32x1000xf32, #tpu.memory_space<vmem>> -> memref<16x1000xf32, #tpu.memory_space<vmem>>
    %dma_start3A_32 = arith.constant 0 : i32
    %dma_start3A_33 = tpu.memref_slice %arg2[%add3A_20, %dma_start3A_32] : memref<16384x1000xf32, #tpu.memory_space<hbm>> -> memref<16x1000xf32, #tpu.memory_space<hbm>>
    tpu.enqueue_dma source(%dma_start3A_33 : memref<16x1000xf32, #tpu.memory_space<hbm>>) target(%dma_start3A_31 : memref<16x1000xf32, #tpu.memory_space<vmem>>) target_semaphore(%dma_start3A_28 : memref<!tpu.dma_semaphore, #tpu.memory_space<semaphore_mem>>)
    %scan3A = arith.constant 0 : i32
    %scan3A_34 = arith.constant 0 : i32
    %scan3A_35 = arith.constant 8 : i32
    %scan3A_36 = arith.addi %scan3A_34, %scan3A_35 : i32
    %scan3A_37 = arith.constant 1 : i32
    scf.for %scan3A_43 = %scan3A_34 to %scan3A_36 step %scan3A_37  : i32 {
      %rem3A = arith.constant 2 : i32
      %rem3A_44 = arith.remsi %scan3A_43, %rem3A : i32
      %mul3A_45 = arith.constant 16 : i32
      %mul3A_46 = arith.muli %scan3A_43, %mul3A_45 : i32
      %add3A_47 = arith.addi %mul3A_2, %mul3A_46 : i32
      %mul3A_48 = arith.constant 16 : i32
      %mul3A_49 = arith.muli %rem3A_44, %mul3A_48 : i32
      %dma_wait3A = arith.constant 0 : i32
      %dma_wait3A_50 = tpu.memref_slice %arg6[%mul3A_49, %dma_wait3A] : memref<32x1000xf32, #tpu.memory_space<vmem>> -> memref<16x1000xf32, #tpu.memory_space<vmem>>
      %dma_wait3A_51 = arith.constant 0 : i32
      %dma_wait3A_52 = tpu.memref_slice %arg2[%add3A_47, %dma_wait3A_51] : memref<16384x1000xf32, #tpu.memory_space<hbm>> -> memref<16x1000xf32, #tpu.memory_space<hbm>>
      %dma_wait3A_53 = tpu.memref_slice %arg10[%rem3A_44] : memref<2x!tpu.dma_semaphore, #tpu.memory_space<semaphore_mem>> -> memref<1x!tpu.dma_semaphore, #tpu.memory_space<semaphore_mem>>
      %dma_wait3A_54 = tpu.memref_squeeze %dma_wait3A_53 : memref<1x!tpu.dma_semaphore, #tpu.memory_space<semaphore_mem>> -> memref<!tpu.dma_semaphore, #tpu.memory_space<semaphore_mem>>
      %dma_wait3A_55 = arith.constant 0 : i32
      %dma_wait3A_56 = tpu.memref_slice %arg6[%mul3A_49, %dma_wait3A_55] : memref<32x1000xf32, #tpu.memory_space<vmem>> -> memref<16x1000xf32, #tpu.memory_space<vmem>>
      %dma_wait3A_57 = arith.constant 0 : i32
      %dma_wait3A_58 = tpu.memref_slice %arg2[%add3A_47, %dma_wait3A_57] : memref<16384x1000xf32, #tpu.memory_space<hbm>> -> memref<16x1000xf32, #tpu.memory_space<hbm>>
      tpu.wait_dma2 semaphore(%dma_wait3A_54 : memref<!tpu.dma_semaphore, #tpu.memory_space<semaphore_mem>>) src(%dma_wait3A_58 : memref<16x1000xf32, #tpu.memory_space<hbm>>) dst(%dma_wait3A_56 : memref<16x1000xf32, #tpu.memory_space<vmem>>)
      %mul3A_59 = arith.constant 16 : i32
      %mul3A_60 = arith.muli %rem3A_44, %mul3A_59 : i32
      %scan3A_61 = arith.constant 0 : i32
      %scan3A_62 = arith.constant 0 : i32
      %scan3A_63 = arith.constant 16 : i32
      %scan3A_64 = arith.addi %scan3A_62, %scan3A_63 : i32
      %scan3A_65 = arith.constant 1 : i32
      scf.for %scan3A_71 = %scan3A_62 to %scan3A_64 step %scan3A_65  : i32 {
        %mul3A_72 = arith.constant 16 : i32
        %mul3A_73 = arith.muli %scan3A_43, %mul3A_72 : i32
        %get3A = arith.index_cast %mul3A_73 : i32 to index
        %get3A_74 = tpu.vector_load %arg7[%get3A] {strides = array<i32>} : memref<128xi32, #tpu.memory_space<vmem>>, vector<16xi32>,
        %get3A_75 = vector.shape_cast %get3A_74 : vector<16xi32> to vector<16xi32>
        %max3A = arith.constant 0 : i32
        %max3A_76 = vector.broadcast %max3A : i32 to vector<16xi32>
        %max3A_77 = arith.maxsi %get3A_75, %max3A_76 : vector<16xi32>
        %broadcast_in_dim3A = arith.constant 0 : i32
        %broadcast_in_dim3A_78 = vector.broadcast %broadcast_in_dim3A : i32 to vector<16xi32>
        %add3A_79 = vector.broadcast %scan3A_71 : i32 to vector<16xi32>
        %add3A_80 = arith.addi %broadcast_in_dim3A_78, %add3A_79 : vector<16xi32>
        %broadcast_in_dim3A_81 = vector.shape_cast %add3A_80 : vector<16xi32> to vector<16x1xi32>
        %gather3A = vector.shape_cast %broadcast_in_dim3A_81 : vector<16x1xi32> to vector<16xi32>
        %gather3A_82 = tpu.dynamic_gather %max3A_77[%gather3A] in [0] : vector<16xi32>, vector<16xi32> -> vector<16xi32>
        %broadcast_in_dim3A_83 = arith.constant 0.000000e+00 : f32
        %broadcast_in_dim3A_84 = vector.broadcast %broadcast_in_dim3A_83 : f32 to vector<16xf32>
        %broadcast_in_dim3A_85 = arith.constant 0.000000e+00 : f32
        %broadcast_in_dim3A_86 = vector.broadcast %broadcast_in_dim3A_85 : f32 to vector<16xf32>
        %add3A_87 = arith.addi %mul3A_60, %scan3A_71 : i32
        %get3A_88 = arith.index_cast %add3A_87 : i32 to index
        %get3A_89 = arith.constant 0 : index
        %get3A_90 = tpu.vector_load %arg6[%get3A_88, %get3A_89] {strides = array<i32>} : memref<32x1000xf32, #tpu.memory_space<vmem>>, vector<1x16xf32>,
        %get3A_91 = vector.shape_cast %get3A_90 : vector<1x16xf32> to vector<16xf32>
        %exp3A = math.exp %get3A_91 : vector<16xf32>
        %add3A_92 = arith.addf %broadcast_in_dim3A_84, %exp3A : vector<16xf32>
        %add3A_93 = arith.constant 0 : i32
        %add3A_94 = vector.broadcast %add3A_93 : i32 to vector<16xi32>
        %add3A_95 = arith.addi %iota3A, %add3A_94 : vector<16xi32>
        %eq3A = arith.cmpi eq, %add3A_95, %gather3A_82 : vector<16xi32>
        %jit3A = arith.constant 0.000000e+00 : f32
        %broadcast_in_dim3A_96 = vector.broadcast %jit3A : f32 to vector<16xf32>
        %select_n3A = arith.select %eq3A, %get3A_91, %broadcast_in_dim3A_96 : vector<16xi1>, vector<16xf32>
        %add3A_97 = arith.addf %broadcast_in_dim3A_86, %select_n3A : vector<16xf32>
        %add3A_98 = arith.addi %mul3A_60, %scan3A_71 : i32
        %get3A_99 = arith.index_cast %add3A_98 : i32 to index
        %get3A_100 = arith.constant 16 : index
        %get3A_101 = tpu.vector_load %arg6[%get3A_99, %get3A_100] {strides = array<i32>} : memref<32x1000xf32, #tpu.memory_space<vmem>>, vector<1x16xf32>,
        %get3A_102 = vector.shape_cast %get3A_101 : vector<1x16xf32> to vector<16xf32>
        %exp3A_103 = math.exp %get3A_102 : vector<16xf32>
        %add3A_104 = arith.addf %add3A_92, %exp3A_103 : vector<16xf32>
        %add3A_105 = arith.constant 16 : i32
        %add3A_106 = vector.broadcast %add3A_105 : i32 to vector<16xi32>
        %add3A_107 = arith.addi %iota3A, %add3A_106 : vector<16xi32>
        %eq3A_108 = arith.cmpi eq, %add3A_107, %gather3A_82 : vector<16xi32>
        %jit3A_109 = arith.constant 0.000000e+00 : f32
        %broadcast_in_dim3A_110 = vector.broadcast %jit3A_109 : f32 to vector<16xf32>
        %select_n3A_111 = arith.select %eq3A_108, %get3A_102, %broadcast_in_dim3A_110 : vector<16xi1>, vector<16xf32>
        %add3A_112 = arith.addf %add3A_97, %select_n3A_111 : vector<16xf32>
        %add3A_113 = arith.addi %mul3A_60, %scan3A_71 : i32
        %get3A_114 = arith.index_cast %add3A_113 : i32 to index
        %get3A_115 = arith.constant 32 : index
        %get3A_116 = tpu.vector_load %arg6[%get3A_114, %get3A_115] {strides = array<i32>} : memref<32x1000xf32, #tpu.memory_space<vmem>>, vector<1x16xf32>,
        %get3A_117 = vector.shape_cast %get3A_116 : vector<1x16xf32> to vector<16xf32>
        %exp3A_118 = math.exp %get3A_117 : vector<16xf32>
        %add3A_119 = arith.addf %add3A_104, %exp3A_118 : vector<16xf32>
        %add3A_120 = arith.constant 32 : i32
        %add3A_121 = vector.broadcast %add3A_120 : i32 to vector<16xi32>
        %add3A_122 = arith.addi %iota3A, %add3A_121 : vector<16xi32>
        %eq3A_123 = arith.cmpi eq, %add3A_122, %gather3A_82 : vector<16xi32>
        %jit3A_124 = arith.constant 0.000000e+00 : f32
        %broadcast_in_dim3A_125 = vector.broadcast %jit3A_124 : f32 to vector<16xf32>
        %select_n3A_126 = arith.select %eq3A_123, %get3A_117, %broadcast_in_dim3A_125 : vector<16xi1>, vector<16xf32>
        %add3A_127 = arith.addf %add3A_112, %select_n3A_126 : vector<16xf32>
        %add3A_128 = arith.addi %mul3A_60, %scan3A_71 : i32
        %get3A_129 = arith.index_cast %add3A_128 : i32 to index
        %get3A_130 = arith.constant 48 : index
        %get3A_131 = tpu.vector_load %arg6[%get3A_129, %get3A_130] {strides = array<i32>} : memref<32x1000xf32, #tpu.memory_space<vmem>>, vector<1x16xf32>,
        %get3A_132 = vector.shape_cast %get3A_131 : vector<1x16xf32> to vector<16xf32>
        %exp3A_133 = math.exp %get3A_132 : vector<16xf32>
        %add3A_134 = arith.addf %add3A_119, %exp3A_133 : vector<16xf32>
        %add3A_135 = arith.constant 48 : i32
        %add3A_136 = vector.broadcast %add3A_135 : i32 to vector<16xi32>
        %add3A_137 = arith.addi %iota3A, %add3A_136 : vector<16xi32>
        %eq3A_138 = arith.cmpi eq, %add3A_137, %gather3A_82 : vector<16xi32>
        %jit3A_139 = arith.constant 0.000000e+00 : f32
        %broadcast_in_dim3A_140 = vector.broadcast %jit3A_139 : f32 to vector<16xf32>
        %select_n3A_141 = arith.select %eq3A_138, %get3A_132, %broadcast_in_dim3A_140 : vector<16xi1>, vector<16xf32>
        %add3A_142 = arith.addf %add3A_127, %select_n3A_141 : vector<16xf32>
        %add3A_143 = arith.addi %mul3A_60, %scan3A_71 : i32
        %get3A_144 = arith.index_cast %add3A_143 : i32 to index
        %get3A_145 = arith.constant 64 : index
        %get3A_146 = tpu.vector_load %arg6[%get3A_144, %get3A_145] {strides = array<i32>} : memref<32x1000xf32, #tpu.memory_space<vmem>>, vector<1x16xf32>,
        %get3A_147 = vector.shape_cast %get3A_146 : vector<1x16xf32> to vector<16xf32>
        %exp3A_148 = math.exp %get3A_147 : vector<16xf32>
        %add3A_149 = arith.addf %add3A_134, %exp3A_148 : vector<16xf32>
        %add3A_150 = arith.constant 64 : i32
        %add3A_151 = vector.broadcast %add3A_150 : i32 to vector<16xi32>
        %add3A_152 = arith.addi %iota3A, %add3A_151 : vector<16xi32>
        %eq3A_153 = arith.cmpi eq, %add3A_152, %gather3A_82 : vector<16xi32>
        %jit3A_154 = arith.constant 0.000000e+00 : f32
        %broadcast_in_dim3A_155 = vector.broadcast %jit3A_154 : f32 to vector<16xf32>
        %select_n3A_156 = arith.select %eq3A_153, %get3A_147, %broadcast_in_dim3A_155 : vector<16xi1>, vector<16xf32>
        %add3A_157 = arith.addf %add3A_142, %select_n3A_156 : vector<16xf32>
        %add3A_158 = arith.addi %mul3A_60, %scan3A_71 : i32
        %get3A_159 = arith.index_cast %add3A_158 : i32 to index
        %get3A_160 = arith.constant 80 : index
        %get3A_161 = tpu.vector_load %arg6[%get3A_159, %get3A_160] {strides = array<i32>} : memref<32x1000xf32, #tpu.memory_space<vmem>>, vector<1x16xf32>,
        %get3A_162 = vector.shape_cast %get3A_161 : vector<1x16xf32> to vector<16xf32>
        %exp3A_163 = math.exp %get3A_162 : vector<16xf32>
        %add3A_164 = arith.addf %add3A_149, %exp3A_163 : vector<16xf32>
        %add3A_165 = arith.constant 80 : i32
        %add3A_166 = vector.broadcast %add3A_165 : i32 to vector<16xi32>
        %add3A_167 = arith.addi %iota3A, %add3A_166 : vector<16xi32>
        %eq3A_168 = arith.cmpi eq, %add3A_167, %gather3A_82 : vector<16xi32>
        %jit3A_169 = arith.constant 0.000000e+00 : f32
        %broadcast_in_dim3A_170 = vector.broadcast %jit3A_169 : f32 to vector<16xf32>
        %select_n3A_171 = arith.select %eq3A_168, %get3A_162, %broadcast_in_dim3A_170 : vector<16xi1>, vector<16xf32>
        %add3A_172 = arith.addf %add3A_157, %select_n3A_171 : vector<16xf32>
        %add3A_173 = arith.addi %mul3A_60, %scan3A_71 : i32
        %get3A_174 = arith.index_cast %add3A_173 : i32 to index
        %get3A_175 = arith.constant 96 : index
        %get3A_176 = tpu.vector_load %arg6[%get3A_174, %get3A_175] {strides = array<i32>} : memref<32x1000xf32, #tpu.memory_space<vmem>>, vector<1x16xf32>,
        %get3A_177 = vector.shape_cast %get3A_176 : vector<1x16xf32> to vector<16xf32>
        %exp3A_178 = math.exp %get3A_177 : vector<16xf32>
        %add3A_179 = arith.addf %add3A_164, %exp3A_178 : vector<16xf32>
        %add3A_180 = arith.constant 96 : i32
        %add3A_181 = vector.broadcast %add3A_180 : i32 to vector<16xi32>
        %add3A_182 = arith.addi %iota3A, %add3A_181 : vector<16xi32>
        %eq3A_183 = arith.cmpi eq, %add3A_182, %gather3A_82 : vector<16xi32>
        %jit3A_184 = arith.constant 0.000000e+00 : f32
        %broadcast_in_dim3A_185 = vector.broadcast %jit3A_184 : f32 to vector<16xf32>
        %select_n3A_186 = arith.select %eq3A_183, %get3A_177, %broadcast_in_dim3A_185 : vector<16xi1>, vector<16xf32>
        %add3A_187 = arith.addf %add3A_172, %select_n3A_186 : vector<16xf32>
        %add3A_188 = arith.addi %mul3A_60, %scan3A_71 : i32
        %get3A_189 = arith.index_cast %add3A_188 : i32 to index
        %get3A_190 = arith.constant 112 : index
        %get3A_191 = tpu.vector_load %arg6[%get3A_189, %get3A_190] {strides = array<i32>} : memref<32x1000xf32, #tpu.memory_space<vmem>>, vector<1x16xf32>,
        %get3A_192 = vector.shape_cast %get3A_191 : vector<1x16xf32> to vector<16xf32>
        %exp3A_193 = math.exp %get3A_192 : vector<16xf32>
        %add3A_194 = arith.addf %add3A_179, %exp3A_193 : vector<16xf32>
        %add3A_195 = arith.constant 112 : i32
        %add3A_196 = vector.broadcast %add3A_195 : i32 to vector<16xi32>
        %add3A_197 = arith.addi %iota3A, %add3A_196 : vector<16xi32>
        %eq3A_198 = arith.cmpi eq, %add3A_197, %gather3A_82 : vector<16xi32>
        %jit3A_199 = arith.constant 0.000000e+00 : f32
        %broadcast_in_dim3A_200 = vector.broadcast %jit3A_199 : f32 to vector<16xf32>
        %select_n3A_201 = arith.select %eq3A_198, %get3A_192, %broadcast_in_dim3A_200 : vector<16xi1>, vector<16xf32>
        %add3A_202 = arith.addf %add3A_187, %select_n3A_201 : vector<16xf32>
        %add3A_203 = arith.addi %mul3A_60, %scan3A_71 : i32
        %get3A_204 = arith.index_cast %add3A_203 : i32 to index
        %get3A_205 = arith.constant 128 : index
        %get3A_206 = tpu.vector_load %arg6[%get3A_204, %get3A_205] {strides = array<i32>} : memref<32x1000xf32, #tpu.memory_space<vmem>>, vector<1x16xf32>,
        %get3A_207 = vector.shape_cast %get3A_206 : vector<1x16xf32> to vector<16xf32>
        %exp3A_208 = math.exp %get3A_207 : vector<16xf32>
        %add3A_209 = arith.addf %add3A_194, %exp3A_208 : vector<16xf32>
        %add3A_210 = arith.constant 128 : i32
        %add3A_211 = vector.broadcast %add3A_210 : i32 to vector<16xi32>
        %add3A_212 = arith.addi %iota3A, %add3A_211 : vector<16xi32>
        %eq3A_213 = arith.cmpi eq, %add3A_212, %gather3A_82 : vector<16xi32>
        %jit3A_214 = arith.constant 0.000000e+00 : f32
        %broadcast_in_dim3A_215 = vector.broadcast %jit3A_214 : f32 to vector<16xf32>
        %select_n3A_216 = arith.select %eq3A_213, %get3A_207, %broadcast_in_dim3A_215 : vector<16xi1>, vector<16xf32>
        %add3A_217 = arith.addf %add3A_202, %select_n3A_216 : vector<16xf32>
        %add3A_218 = arith.addi %mul3A_60, %scan3A_71 : i32
        %get3A_219 = arith.index_cast %add3A_218 : i32 to index
        %get3A_220 = arith.constant 144 : index
        %get3A_221 = tpu.vector_load %arg6[%get3A_219, %get3A_220] {strides = array<i32>} : memref<32x1000xf32, #tpu.memory_space<vmem>>, vector<1x16xf32>,
        %get3A_222 = vector.shape_cast %get3A_221 : vector<1x16xf32> to vector<16xf32>
        %exp3A_223 = math.exp %get3A_222 : vector<16xf32>
        %add3A_224 = arith.addf %add3A_209, %exp3A_223 : vector<16xf32>
        %add3A_225 = arith.constant 144 : i32
        %add3A_226 = vector.broadcast %add3A_225 : i32 to vector<16xi32>
        %add3A_227 = arith.addi %iota3A, %add3A_226 : vector<16xi32>
        %eq3A_228 = arith.cmpi eq, %add3A_227, %gather3A_82 : vector<16xi32>
        %jit3A_229 = arith.constant 0.000000e+00 : f32
        %broadcast_in_dim3A_230 = vector.broadcast %jit3A_229 : f32 to vector<16xf32>
        %select_n3A_231 = arith.select %eq3A_228, %get3A_222, %broadcast_in_dim3A_230 : vector<16xi1>, vector<16xf32>
        %add3A_232 = arith.addf %add3A_217, %select_n3A_231 : vector<16xf32>
        %add3A_233 = arith.addi %mul3A_60, %scan3A_71 : i32
        %get3A_234 = arith.index_cast %add3A_233 : i32 to index
        %get3A_235 = arith.constant 160 : index
        %get3A_236 = tpu.vector_load %arg6[%get3A_234, %get3A_235] {strides = array<i32>} : memref<32x1000xf32, #tpu.memory_space<vmem>>, vector<1x16xf32>,
        %get3A_237 = vector.shape_cast %get3A_236 : vector<1x16xf32> to vector<16xf32>
        %exp3A_238 = math.exp %get3A_237 : vector<16xf32>
        %add3A_239 = arith.addf %add3A_224, %exp3A_238 : vector<16xf32>
        %add3A_240 = arith.constant 160 : i32
        %add3A_241 = vector.broadcast %add3A_240 : i32 to vector<16xi32>
        %add3A_242 = arith.addi %iota3A, %add3A_241 : vector<16xi32>
        %eq3A_243 = arith.cmpi eq, %add3A_242, %gather3A_82 : vector<16xi32>
        %jit3A_244 = arith.constant 0.000000e+00 : f32
        %broadcast_in_dim3A_245 = vector.broadcast %jit3A_244 : f32 to vector<16xf32>
        %select_n3A_246 = arith.select %eq3A_243, %get3A_237, %broadcast_in_dim3A_245 : vector<16xi1>, vector<16xf32>
        %add3A_247 = arith.addf %add3A_232, %select_n3A_246 : vector<16xf32>
        %add3A_248 = arith.addi %mul3A_60, %scan3A_71 : i32
        %get3A_249 = arith.index_cast %add3A_248 : i32 to index
        %get3A_250 = arith.constant 176 : index
        %get3A_251 = tpu.vector_load %arg6[%get3A_249, %get3A_250] {strides = array<i32>} : memref<32x1000xf32, #tpu.memory_space<vmem>>, vector<1x16xf32>,
        %get3A_252 = vector.shape_cast %get3A_251 : vector<1x16xf32> to vector<16xf32>
        %exp3A_253 = math.exp %get3A_252 : vector<16xf32>
        %add3A_254 = arith.addf %add3A_239, %exp3A_253 : vector<16xf32>
        %add3A_255 = arith.constant 176 : i32
        %add3A_256 = vector.broadcast %add3A_255 : i32 to vector<16xi32>
        %add3A_257 = arith.addi %iota3A, %add3A_256 : vector<16xi32>
        %eq3A_258 = arith.cmpi eq, %add3A_257, %gather3A_82 : vector<16xi32>
        %jit3A_259 = arith.constant 0.000000e+00 : f32
        %broadcast_in_dim3A_260 = vector.broadcast %jit3A_259 : f32 to vector<16xf32>
        %select_n3A_261 = arith.select %eq3A_258, %get3A_252, %broadcast_in_dim3A_260 : vector<16xi1>, vector<16xf32>
        %add3A_262 = arith.addf %add3A_247, %select_n3A_261 : vector<16xf32>
        %add3A_263 = arith.addi %mul3A_60, %scan3A_71 : i32
        %get3A_264 = arith.index_cast %add3A_263 : i32 to index
        %get3A_265 = arith.constant 192 : index
        %get3A_266 = tpu.vector_load %arg6[%get3A_264, %get3A_265] {strides = array<i32>} : memref<32x1000xf32, #tpu.memory_space<vmem>>, vector<1x16xf32>,
        %get3A_267 = vector.shape_cast %get3A_266 : vector<1x16xf32> to vector<16xf32>
        %exp3A_268 = math.exp %get3A_267 : vector<16xf32>
        %add3A_269 = arith.addf %add3A_254, %exp3A_268 : vector<16xf32>
        %add3A_270 = arith.constant 192 : i32
        %add3A_271 = vector.broadcast %add3A_270 : i32 to vector<16xi32>
        %add3A_272 = arith.addi %iota3A, %add3A_271 : vector<16xi32>
        %eq3A_273 = arith.cmpi eq, %add3A_272, %gather3A_82 : vector<16xi32>
        %jit3A_274 = arith.constant 0.000000e+00 : f32
        %broadcast_in_dim3A_275 = vector.broadcast %jit3A_274 : f32 to vector<16xf32>
        %select_n3A_276 = arith.select %eq3A_273, %get3A_267, %broadcast_in_dim3A_275 : vector<16xi1>, vector<16xf32>
        %add3A_277 = arith.addf %add3A_262, %select_n3A_276 : vector<16xf32>
        %add3A_278 = arith.addi %mul3A_60, %scan3A_71 : i32
        %get3A_279 = arith.index_cast %add3A_278 : i32 to index
        %get3A_280 = arith.constant 208 : index
        %get3A_281 = tpu.vector_load %arg6[%get3A_279, %get3A_280] {strides = array<i32>} : memref<32x1000xf32, #tpu.memory_space<vmem>>, vector<1x16xf32>,
        %get3A_282 = vector.shape_cast %get3A_281 : vector<1x16xf32> to vector<16xf32>
        %exp3A_283 = math.exp %get3A_282 : vector<16xf32>
        %add3A_284 = arith.addf %add3A_269, %exp3A_283 : vector<16xf32>
        %add3A_285 = arith.constant 208 : i32
        %add3A_286 = vector.broadcast %add3A_285 : i32 to vector<16xi32>
        %add3A_287 = arith.addi %iota3A, %add3A_286 : vector<16xi32>
        %eq3A_288 = arith.cmpi eq, %add3A_287, %gather3A_82 : vector<16xi32>
        %jit3A_289 = arith.constant 0.000000e+00 : f32
        %broadcast_in_dim3A_290 = vector.broadcast %jit3A_289 : f32 to vector<16xf32>
        %select_n3A_291 = arith.select %eq3A_288, %get3A_282, %broadcast_in_dim3A_290 : vector<16xi1>, vector<16xf32>
        %add3A_292 = arith.addf %add3A_277, %select_n3A_291 : vector<16xf32>
        %add3A_293 = arith.addi %mul3A_60, %scan3A_71 : i32
        %get3A_294 = arith.index_cast %add3A_293 : i32 to index
        %get3A_295 = arith.constant 224 : index
        %get3A_296 = tpu.vector_load %arg6[%get3A_294, %get3A_295] {strides = array<i32>} : memref<32x1000xf32, #tpu.memory_space<vmem>>, vector<1x16xf32>,
        %get3A_297 = vector.shape_cast %get3A_296 : vector<1x16xf32> to vector<16xf32>
        %exp3A_298 = math.exp %get3A_297 : vector<16xf32>
        %add3A_299 = arith.addf %add3A_284, %exp3A_298 : vector<16xf32>
        %add3A_300 = arith.constant 224 : i32
        %add3A_301 = vector.broadcast %add3A_300 : i32 to vector<16xi32>
        %add3A_302 = arith.addi %iota3A, %add3A_301 : vector<16xi32>
        %eq3A_303 = arith.cmpi eq, %add3A_302, %gather3A_82 : vector<16xi32>
        %jit3A_304 = arith.constant 0.000000e+00 : f32
        %broadcast_in_dim3A_305 = vector.broadcast %jit3A_304 : f32 to vector<16xf32>
        %select_n3A_306 = arith.select %eq3A_303, %get3A_297, %broadcast_in_dim3A_305 : vector<16xi1>, vector<16xf32>
        %add3A_307 = arith.addf %add3A_292, %select_n3A_306 : vector<16xf32>
        %add3A_308 = arith.addi %mul3A_60, %scan3A_71 : i32
        %get3A_309 = arith.index_cast %add3A_308 : i32 to index
        %get3A_310 = arith.constant 240 : index
        %get3A_311 = tpu.vector_load %arg6[%get3A_309, %get3A_310] {strides = array<i32>} : memref<32x1000xf32, #tpu.memory_space<vmem>>, vector<1x16xf32>,
        %get3A_312 = vector.shape_cast %get3A_311 : vector<1x16xf32> to vector<16xf32>
        %exp3A_313 = math.exp %get3A_312 : vector<16xf32>
        %add3A_314 = arith.addf %add3A_299, %exp3A_313 : vector<16xf32>
        %add3A_315 = arith.constant 240 : i32
        %add3A_316 = vector.broadcast %add3A_315 : i32 to vector<16xi32>
        %add3A_317 = arith.addi %iota3A, %add3A_316 : vector<16xi32>
        %eq3A_318 = arith.cmpi eq, %add3A_317, %gather3A_82 : vector<16xi32>
        %jit3A_319 = arith.constant 0.000000e+00 : f32
        %broadcast_in_dim3A_320 = vector.broadcast %jit3A_319 : f32 to vector<16xf32>
        %select_n3A_321 = arith.select %eq3A_318, %get3A_312, %broadcast_in_dim3A_320 : vector<16xi1>, vector<16xf32>
        %add3A_322 = arith.addf %add3A_307, %select_n3A_321 : vector<16xf32>
        %add3A_323 = arith.addi %mul3A_60, %scan3A_71 : i32
        %get3A_324 = arith.index_cast %add3A_323 : i32 to index
        %get3A_325 = arith.constant 256 : index
        %get3A_326 = tpu.vector_load %arg6[%get3A_324, %get3A_325] {strides = array<i32>} : memref<32x1000xf32, #tpu.memory_space<vmem>>, vector<1x16xf32>,
        %get3A_327 = vector.shape_cast %get3A_326 : vector<1x16xf32> to vector<16xf32>
        %exp3A_328 = math.exp %get3A_327 : vector<16xf32>
        %add3A_329 = arith.addf %add3A_314, %exp3A_328 : vector<16xf32>
        %add3A_330 = arith.constant 256 : i32
        %add3A_331 = vector.broadcast %add3A_330 : i32 to vector<16xi32>
        %add3A_332 = arith.addi %iota3A, %add3A_331 : vector<16xi32>
        %eq3A_333 = arith.cmpi eq, %add3A_332, %gather3A_82 : vector<16xi32>
        %jit3A_334 = arith.constant 0.000000e+00 : f32
        %broadcast_in_dim3A_335 = vector.broadcast %jit3A_334 : f32 to vector<16xf32>
        %select_n3A_336 = arith.select %eq3A_333, %get3A_327, %broadcast_in_dim3A_335 : vector<16xi1>, vector<16xf32>
        %add3A_337 = arith.addf %add3A_322, %select_n3A_336 : vector<16xf32>
        %add3A_338 = arith.addi %mul3A_60, %scan3A_71 : i32
        %get3A_339 = arith.index_cast %add3A_338 : i32 to index
        %get3A_340 = arith.constant 272 : index
        %get3A_341 = tpu.vector_load %arg6[%get3A_339, %get3A_340] {strides = array<i32>} : memref<32x1000xf32, #tpu.memory_space<vmem>>, vector<1x16xf32>,
        %get3A_342 = vector.shape_cast %get3A_341 : vector<1x16xf32> to vector<16xf32>
        %exp3A_343 = math.exp %get3A_342 : vector<16xf32>
        %add3A_344 = arith.addf %add3A_329, %exp3A_343 : vector<16xf32>
        %add3A_345 = arith.constant 272 : i32
        %add3A_346 = vector.broadcast %add3A_345 : i32 to vector<16xi32>
        %add3A_347 = arith.addi %iota3A, %add3A_346 : vector<16xi32>
        %eq3A_348 = arith.cmpi eq, %add3A_347, %gather3A_82 : vector<16xi32>
        %jit3A_349 = arith.constant 0.000000e+00 : f32
        %broadcast_in_dim3A_350 = vector.broadcast %jit3A_349 : f32 to vector<16xf32>
        %select_n3A_351 = arith.select %eq3A_348, %get3A_342, %broadcast_in_dim3A_350 : vector<16xi1>, vector<16xf32>
        %add3A_352 = arith.addf %add3A_337, %select_n3A_351 : vector<16xf32>
        %add3A_353 = arith.addi %mul3A_60, %scan3A_71 : i32
        %get3A_354 = arith.index_cast %add3A_353 : i32 to index
        %get3A_355 = arith.constant 288 : index
        %get3A_356 = tpu.vector_load %arg6[%get3A_354, %get3A_355] {strides = array<i32>} : memref<32x1000xf32, #tpu.memory_space<vmem>>, vector<1x16xf32>,
        %get3A_357 = vector.shape_cast %get3A_356 : vector<1x16xf32> to vector<16xf32>
        %exp3A_358 = math.exp %get3A_357 : vector<16xf32>
        %add3A_359 = arith.addf %add3A_344, %exp3A_358 : vector<16xf32>
        %add3A_360 = arith.constant 288 : i32
        %add3A_361 = vector.broadcast %add3A_360 : i32 to vector<16xi32>
        %add3A_362 = arith.addi %iota3A, %add3A_361 : vector<16xi32>
        %eq3A_363 = arith.cmpi eq, %add3A_362, %gather3A_82 : vector<16xi32>
        %jit3A_364 = arith.constant 0.000000e+00 : f32
        %broadcast_in_dim3A_365 = vector.broadcast %jit3A_364 : f32 to vector<16xf32>
        %select_n3A_366 = arith.select %eq3A_363, %get3A_357, %broadcast_in_dim3A_365 : vector<16xi1>, vector<16xf32>
        %add3A_367 = arith.addf %add3A_352, %select_n3A_366 : vector<16xf32>
        %add3A_368 = arith.addi %mul3A_60, %scan3A_71 : i32
        %get3A_369 = arith.index_cast %add3A_368 : i32 to index
        %get3A_370 = arith.constant 304 : index
        %get3A_371 = tpu.vector_load %arg6[%get3A_369, %get3A_370] {strides = array<i32>} : memref<32x1000xf32, #tpu.memory_space<vmem>>, vector<1x16xf32>,
        %get3A_372 = vector.shape_cast %get3A_371 : vector<1x16xf32> to vector<16xf32>
        %exp3A_373 = math.exp %get3A_372 : vector<16xf32>
        %add3A_374 = arith.addf %add3A_359, %exp3A_373 : vector<16xf32>
        %add3A_375 = arith.constant 304 : i32
        %add3A_376 = vector.broadcast %add3A_375 : i32 to vector<16xi32>
        %add3A_377 = arith.addi %iota3A, %add3A_376 : vector<16xi32>
        %eq3A_378 = arith.cmpi eq, %add3A_377, %gather3A_82 : vector<16xi32>
        %jit3A_379 = arith.constant 0.000000e+00 : f32
        %broadcast_in_dim3A_380 = vector.broadcast %jit3A_379 : f32 to vector<16xf32>
        %select_n3A_381 = arith.select %eq3A_378, %get3A_372, %broadcast_in_dim3A_380 : vector<16xi1>, vector<16xf32>
        %add3A_382 = arith.addf %add3A_367, %select_n3A_381 : vector<16xf32>
        %add3A_383 = arith.addi %mul3A_60, %scan3A_71 : i32
        %get3A_384 = arith.index_cast %add3A_383 : i32 to index
        %get3A_385 = arith.constant 320 : index
        %get3A_386 = tpu.vector_load %arg6[%get3A_384, %get3A_385] {strides = array<i32>} : memref<32x1000xf32, #tpu.memory_space<vmem>>, vector<1x16xf32>,
        %get3A_387 = vector.shape_cast %get3A_386 : vector<1x16xf32> to vector<16xf32>
        %exp3A_388 = math.exp %get3A_387 : vector<16xf32>
        %add3A_389 = arith.addf %add3A_374, %exp3A_388 : vector<16xf32>
        %add3A_390 = arith.constant 320 : i32
        %add3A_391 = vector.broadcast %add3A_390 : i32 to vector<16xi32>
        %add3A_392 = arith.addi %iota3A, %add3A_391 : vector<16xi32>
        %eq3A_393 = arith.cmpi eq, %add3A_392, %gather3A_82 : vector<16xi32>
        %jit3A_394 = arith.constant 0.000000e+00 : f32
        %broadcast_in_dim3A_395 = vector.broadcast %jit3A_394 : f32 to vector<16xf32>
        %select_n3A_396 = arith.select %eq3A_393, %get3A_387, %broadcast_in_dim3A_395 : vector<16xi1>, vector<16xf32>
        %add3A_397 = arith.addf %add3A_382, %select_n3A_396 : vector<16xf32>
        %add3A_398 = arith.addi %mul3A_60, %scan3A_71 : i32
        %get3A_399 = arith.index_cast %add3A_398 : i32 to index
        %get3A_400 = arith.constant 336 : index
        %get3A_401 = tpu.vector_load %arg6[%get3A_399, %get3A_400] {strides = array<i32>} : memref<32x1000xf32, #tpu.memory_space<vmem>>, vector<1x16xf32>,
        %get3A_402 = vector.shape_cast %get3A_401 : vector<1x16xf32> to vector<16xf32>
        %exp3A_403 = math.exp %get3A_402 : vector<16xf32>
        %add3A_404 = arith.addf %add3A_389, %exp3A_403 : vector<16xf32>
        %add3A_405 = arith.constant 336 : i32
        %add3A_406 = vector.broadcast %add3A_405 : i32 to vector<16xi32>
        %add3A_407 = arith.addi %iota3A, %add3A_406 : vector<16xi32>
        %eq3A_408 = arith.cmpi eq, %add3A_407, %gather3A_82 : vector<16xi32>
        %jit3A_409 = arith.constant 0.000000e+00 : f32
        %broadcast_in_dim3A_410 = vector.broadcast %jit3A_409 : f32 to vector<16xf32>
        %select_n3A_411 = arith.select %eq3A_408, %get3A_402, %broadcast_in_dim3A_410 : vector<16xi1>, vector<16xf32>
        %add3A_412 = arith.addf %add3A_397, %select_n3A_411 : vector<16xf32>
        %add3A_413 = arith.addi %mul3A_60, %scan3A_71 : i32
        %get3A_414 = arith.index_cast %add3A_413 : i32 to index
        %get3A_415 = arith.constant 352 : index
        %get3A_416 = tpu.vector_load %arg6[%get3A_414, %get3A_415] {strides = array<i32>} : memref<32x1000xf32, #tpu.memory_space<vmem>>, vector<1x16xf32>,
        %get3A_417 = vector.shape_cast %get3A_416 : vector<1x16xf32> to vector<16xf32>
        %exp3A_418 = math.exp %get3A_417 : vector<16xf32>
        %add3A_419 = arith.addf %add3A_404, %exp3A_418 : vector<16xf32>
        %add3A_420 = arith.constant 352 : i32
        %add3A_421 = vector.broadcast %add3A_420 : i32 to vector<16xi32>
        %add3A_422 = arith.addi %iota3A, %add3A_421 : vector<16xi32>
        %eq3A_423 = arith.cmpi eq, %add3A_422, %gather3A_82 : vector<16xi32>
        %jit3A_424 = arith.constant 0.000000e+00 : f32
        %broadcast_in_dim3A_425 = vector.broadcast %jit3A_424 : f32 to vector<16xf32>
        %select_n3A_426 = arith.select %eq3A_423, %get3A_417, %broadcast_in_dim3A_425 : vector<16xi1>, vector<16xf32>
        %add3A_427 = arith.addf %add3A_412, %select_n3A_426 : vector<16xf32>
        %add3A_428 = arith.addi %mul3A_60, %scan3A_71 : i32
        %get3A_429 = arith.index_cast %add3A_428 : i32 to index
        %get3A_430 = arith.constant 368 : index
        %get3A_431 = tpu.vector_load %arg6[%get3A_429, %get3A_430] {strides = array<i32>} : memref<32x1000xf32, #tpu.memory_space<vmem>>, vector<1x16xf32>,
        %get3A_432 = vector.shape_cast %get3A_431 : vector<1x16xf32> to vector<16xf32>
        %exp3A_433 = math.exp %get3A_432 : vector<16xf32>
        %add3A_434 = arith.addf %add3A_419, %exp3A_433 : vector<16xf32>
        %add3A_435 = arith.constant 368 : i32
        %add3A_436 = vector.broadcast %add3A_435 : i32 to vector<16xi32>
        %add3A_437 = arith.addi %iota3A, %add3A_436 : vector<16xi32>
        %eq3A_438 = arith.cmpi eq, %add3A_437, %gather3A_82 : vector<16xi32>
        %jit3A_439 = arith.constant 0.000000e+00 : f32
        %broadcast_in_dim3A_440 = vector.broadcast %jit3A_439 : f32 to vector<16xf32>
        %select_n3A_441 = arith.select %eq3A_438, %get3A_432, %broadcast_in_dim3A_440 : vector<16xi1>, vector<16xf32>
        %add3A_442 = arith.addf %add3A_427, %select_n3A_441 : vector<16xf32>
        %add3A_443 = arith.addi %mul3A_60, %scan3A_71 : i32
        %get3A_444 = arith.index_cast %add3A_443 : i32 to index
        %get3A_445 = arith.constant 384 : index
        %get3A_446 = tpu.vector_load %arg6[%get3A_444, %get3A_445] {strides = array<i32>} : memref<32x1000xf32, #tpu.memory_space<vmem>>, vector<1x16xf32>,
        %get3A_447 = vector.shape_cast %get3A_446 : vector<1x16xf32> to vector<16xf32>
        %exp3A_448 = math.exp %get3A_447 : vector<16xf32>
        %add3A_449 = arith.addf %add3A_434, %exp3A_448 : vector<16xf32>
        %add3A_450 = arith.constant 384 : i32
        %add3A_451 = vector.broadcast %add3A_450 : i32 to vector<16xi32>
        %add3A_452 = arith.addi %iota3A, %add3A_451 : vector<16xi32>
        %eq3A_453 = arith.cmpi eq, %add3A_452, %gather3A_82 : vector<16xi32>
        %jit3A_454 = arith.constant 0.000000e+00 : f32
        %broadcast_in_dim3A_455 = vector.broadcast %jit3A_454 : f32 to vector<16xf32>
        %select_n3A_456 = arith.select %eq3A_453, %get3A_447, %broadcast_in_dim3A_455 : vector<16xi1>, vector<16xf32>
        %add3A_457 = arith.addf %add3A_442, %select_n3A_456 : vector<16xf32>
        %add3A_458 = arith.addi %mul3A_60, %scan3A_71 : i32
        %get3A_459 = arith.index_cast %add3A_458 : i32 to index
        %get3A_460 = arith.constant 400 : index
        %get3A_461 = tpu.vector_load %arg6[%get3A_459, %get3A_460] {strides = array<i32>} : memref<32x1000xf32, #tpu.memory_space<vmem>>, vector<1x16xf32>,
        %get3A_462 = vector.shape_cast %get3A_461 : vector<1x16xf32> to vector<16xf32>
        %exp3A_463 = math.exp %get3A_462 : vector<16xf32>
        %add3A_464 = arith.addf %add3A_449, %exp3A_463 : vector<16xf32>
        %add3A_465 = arith.constant 400 : i32
        %add3A_466 = vector.broadcast %add3A_465 : i32 to vector<16xi32>
        %add3A_467 = arith.addi %iota3A, %add3A_466 : vector<16xi32>
        %eq3A_468 = arith.cmpi eq, %add3A_467, %gather3A_82 : vector<16xi32>
        %jit3A_469 = arith.constant 0.000000e+00 : f32
        %broadcast_in_dim3A_470 = vector.broadcast %jit3A_469 : f32 to vector<16xf32>
        %select_n3A_471 = arith.select %eq3A_468, %get3A_462, %broadcast_in_dim3A_470 : vector<16xi1>, vector<16xf32>
        %add3A_472 = arith.addf %add3A_457, %select_n3A_471 : vector<16xf32>
        %add3A_473 = arith.addi %mul3A_60, %scan3A_71 : i32
        %get3A_474 = arith.index_cast %add3A_473 : i32 to index
        %get3A_475 = arith.constant 416 : index
        %get3A_476 = tpu.vector_load %arg6[%get3A_474, %get3A_475] {strides = array<i32>} : memref<32x1000xf32, #tpu.memory_space<vmem>>, vector<1x16xf32>,
        %get3A_477 = vector.shape_cast %get3A_476 : vector<1x16xf32> to vector<16xf32>
        %exp3A_478 = math.exp %get3A_477 : vector<16xf32>
        %add3A_479 = arith.addf %add3A_464, %exp3A_478 : vector<16xf32>
        %add3A_480 = arith.constant 416 : i32
        %add3A_481 = vector.broadcast %add3A_480 : i32 to vector<16xi32>
        %add3A_482 = arith.addi %iota3A, %add3A_481 : vector<16xi32>
        %eq3A_483 = arith.cmpi eq, %add3A_482, %gather3A_82 : vector<16xi32>
        %jit3A_484 = arith.constant 0.000000e+00 : f32
        %broadcast_in_dim3A_485 = vector.broadcast %jit3A_484 : f32 to vector<16xf32>
        %select_n3A_486 = arith.select %eq3A_483, %get3A_477, %broadcast_in_dim3A_485 : vector<16xi1>, vector<16xf32>
        %add3A_487 = arith.addf %add3A_472, %select_n3A_486 : vector<16xf32>
        %add3A_488 = arith.addi %mul3A_60, %scan3A_71 : i32
        %get3A_489 = arith.index_cast %add3A_488 : i32 to index
        %get3A_490 = arith.constant 432 : index
        %get3A_491 = tpu.vector_load %arg6[%get3A_489, %get3A_490] {strides = array<i32>} : memref<32x1000xf32, #tpu.memory_space<vmem>>, vector<1x16xf32>,
        %get3A_492 = vector.shape_cast %get3A_491 : vector<1x16xf32> to vector<16xf32>
        %exp3A_493 = math.exp %get3A_492 : vector<16xf32>
        %add3A_494 = arith.addf %add3A_479, %exp3A_493 : vector<16xf32>
        %add3A_495 = arith.constant 432 : i32
        %add3A_496 = vector.broadcast %add3A_495 : i32 to vector<16xi32>
        %add3A_497 = arith.addi %iota3A, %add3A_496 : vector<16xi32>
        %eq3A_498 = arith.cmpi eq, %add3A_497, %gather3A_82 : vector<16xi32>
        %jit3A_499 = arith.constant 0.000000e+00 : f32
        %broadcast_in_dim3A_500 = vector.broadcast %jit3A_499 : f32 to vector<16xf32>
        %select_n3A_501 = arith.select %eq3A_498, %get3A_492, %broadcast_in_dim3A_500 : vector<16xi1>, vector<16xf32>
        %add3A_502 = arith.addf %add3A_487, %select_n3A_501 : vector<16xf32>
        %add3A_503 = arith.addi %mul3A_60, %scan3A_71 : i32
        %get3A_504 = arith.index_cast %add3A_503 : i32 to index
        %get3A_505 = arith.constant 448 : index
        %get3A_506 = tpu.vector_load %arg6[%get3A_504, %get3A_505] {strides = array<i32>} : memref<32x1000xf32, #tpu.memory_space<vmem>>, vector<1x16xf32>,
        %get3A_507 = vector.shape_cast %get3A_506 : vector<1x16xf32> to vector<16xf32>
        %exp3A_508 = math.exp %get3A_507 : vector<16xf32>
        %add3A_509 = arith.addf %add3A_494, %exp3A_508 : vector<16xf32>
        %add3A_510 = arith.constant 448 : i32
        %add3A_511 = vector.broadcast %add3A_510 : i32 to vector<16xi32>
        %add3A_512 = arith.addi %iota3A, %add3A_511 : vector<16xi32>
        %eq3A_513 = arith.cmpi eq, %add3A_512, %gather3A_82 : vector<16xi32>
        %jit3A_514 = arith.constant 0.000000e+00 : f32
        %broadcast_in_dim3A_515 = vector.broadcast %jit3A_514 : f32 to vector<16xf32>
        %select_n3A_516 = arith.select %eq3A_513, %get3A_507, %broadcast_in_dim3A_515 : vector<16xi1>, vector<16xf32>
        %add3A_517 = arith.addf %add3A_502, %select_n3A_516 : vector<16xf32>
        %add3A_518 = arith.addi %mul3A_60, %scan3A_71 : i32
        %get3A_519 = arith.index_cast %add3A_518 : i32 to index
        %get3A_520 = arith.constant 464 : index
        %get3A_521 = tpu.vector_load %arg6[%get3A_519, %get3A_520] {strides = array<i32>} : memref<32x1000xf32, #tpu.memory_space<vmem>>, vector<1x16xf32>,
        %get3A_522 = vector.shape_cast %get3A_521 : vector<1x16xf32> to vector<16xf32>
        %exp3A_523 = math.exp %get3A_522 : vector<16xf32>
        %add3A_524 = arith.addf %add3A_509, %exp3A_523 : vector<16xf32>
        %add3A_525 = arith.constant 464 : i32
        %add3A_526 = vector.broadcast %add3A_525 : i32 to vector<16xi32>
        %add3A_527 = arith.addi %iota3A, %add3A_526 : vector<16xi32>
        %eq3A_528 = arith.cmpi eq, %add3A_527, %gather3A_82 : vector<16xi32>
        %jit3A_529 = arith.constant 0.000000e+00 : f32
        %broadcast_in_dim3A_530 = vector.broadcast %jit3A_529 : f32 to vector<16xf32>
        %select_n3A_531 = arith.select %eq3A_528, %get3A_522, %broadcast_in_dim3A_530 : vector<16xi1>, vector<16xf32>
        %add3A_532 = arith.addf %add3A_517, %select_n3A_531 : vector<16xf32>
        %add3A_533 = arith.addi %mul3A_60, %scan3A_71 : i32
        %get3A_534 = arith.index_cast %add3A_533 : i32 to index
        %get3A_535 = arith.constant 480 : index
        %get3A_536 = tpu.vector_load %arg6[%get3A_534, %get3A_535] {strides = array<i32>} : memref<32x1000xf32, #tpu.memory_space<vmem>>, vector<1x16xf32>,
        %get3A_537 = vector.shape_cast %get3A_536 : vector<1x16xf32> to vector<16xf32>
        %exp3A_538 = math.exp %get3A_537 : vector<16xf32>
        %add3A_539 = arith.addf %add3A_524, %exp3A_538 : vector<16xf32>
        %add3A_540 = arith.constant 480 : i32
        %add3A_541 = vector.broadcast %add3A_540 : i32 to vector<16xi32>
        %add3A_542 = arith.addi %iota3A, %add3A_541 : vector<16xi32>
        %eq3A_543 = arith.cmpi eq, %add3A_542, %gather3A_82 : vector<16xi32>
        %jit3A_544 = arith.constant 0.000000e+00 : f32
        %broadcast_in_dim3A_545 = vector.broadcast %jit3A_544 : f32 to vector<16xf32>
        %select_n3A_546 = arith.select %eq3A_543, %get3A_537, %broadcast_in_dim3A_545 : vector<16xi1>, vector<16xf32>
        %add3A_547 = arith.addf %add3A_532, %select_n3A_546 : vector<16xf32>
        %add3A_548 = arith.addi %mul3A_60, %scan3A_71 : i32
        %get3A_549 = arith.index_cast %add3A_548 : i32 to index
        %get3A_550 = arith.constant 496 : index
        %get3A_551 = tpu.vector_load %arg6[%get3A_549, %get3A_550] {strides = array<i32>} : memref<32x1000xf32, #tpu.memory_space<vmem>>, vector<1x16xf32>,
        %get3A_552 = vector.shape_cast %get3A_551 : vector<1x16xf32> to vector<16xf32>
        %exp3A_553 = math.exp %get3A_552 : vector<16xf32>
        %add3A_554 = arith.addf %add3A_539, %exp3A_553 : vector<16xf32>
        %add3A_555 = arith.constant 496 : i32
        %add3A_556 = vector.broadcast %add3A_555 : i32 to vector<16xi32>
        %add3A_557 = arith.addi %iota3A, %add3A_556 : vector<16xi32>
        %eq3A_558 = arith.cmpi eq, %add3A_557, %gather3A_82 : vector<16xi32>
        %jit3A_559 = arith.constant 0.000000e+00 : f32
        %broadcast_in_dim3A_560 = vector.broadcast %jit3A_559 : f32 to vector<16xf32>
        %select_n3A_561 = arith.select %eq3A_558, %get3A_552, %broadcast_in_dim3A_560 : vector<16xi1>, vector<16xf32>
        %add3A_562 = arith.addf %add3A_547, %select_n3A_561 : vector<16xf32>
        %add3A_563 = arith.addi %mul3A_60, %scan3A_71 : i32
        %get3A_564 = arith.index_cast %add3A_563 : i32 to index
        %get3A_565 = arith.constant 512 : index
        %get3A_566 = tpu.vector_load %arg6[%get3A_564, %get3A_565] {strides = array<i32>} : memref<32x1000xf32, #tpu.memory_space<vmem>>, vector<1x16xf32>,
        %get3A_567 = vector.shape_cast %get3A_566 : vector<1x16xf32> to vector<16xf32>
        %exp3A_568 = math.exp %get3A_567 : vector<16xf32>
        %add3A_569 = arith.addf %add3A_554, %exp3A_568 : vector<16xf32>
        %add3A_570 = arith.constant 512 : i32
        %add3A_571 = vector.broadcast %add3A_570 : i32 to vector<16xi32>
        %add3A_572 = arith.addi %iota3A, %add3A_571 : vector<16xi32>
        %eq3A_573 = arith.cmpi eq, %add3A_572, %gather3A_82 : vector<16xi32>
        %jit3A_574 = arith.constant 0.000000e+00 : f32
        %broadcast_in_dim3A_575 = vector.broadcast %jit3A_574 : f32 to vector<16xf32>
        %select_n3A_576 = arith.select %eq3A_573, %get3A_567, %broadcast_in_dim3A_575 : vector<16xi1>, vector<16xf32>
        %add3A_577 = arith.addf %add3A_562, %select_n3A_576 : vector<16xf32>
        %add3A_578 = arith.addi %mul3A_60, %scan3A_71 : i32
        %get3A_579 = arith.index_cast %add3A_578 : i32 to index
        %get3A_580 = arith.constant 528 : index
        %get3A_581 = tpu.vector_load %arg6[%get3A_579, %get3A_580] {strides = array<i32>} : memref<32x1000xf32, #tpu.memory_space<vmem>>, vector<1x16xf32>,
        %get3A_582 = vector.shape_cast %get3A_581 : vector<1x16xf32> to vector<16xf32>
        %exp3A_583 = math.exp %get3A_582 : vector<16xf32>
        %add3A_584 = arith.addf %add3A_569, %exp3A_583 : vector<16xf32>
        %add3A_585 = arith.constant 528 : i32
        %add3A_586 = vector.broadcast %add3A_585 : i32 to vector<16xi32>
        %add3A_587 = arith.addi %iota3A, %add3A_586 : vector<16xi32>
        %eq3A_588 = arith.cmpi eq, %add3A_587, %gather3A_82 : vector<16xi32>
        %jit3A_589 = arith.constant 0.000000e+00 : f32
        %broadcast_in_dim3A_590 = vector.broadcast %jit3A_589 : f32 to vector<16xf32>
        %select_n3A_591 = arith.select %eq3A_588, %get3A_582, %broadcast_in_dim3A_590 : vector<16xi1>, vector<16xf32>
        %add3A_592 = arith.addf %add3A_577, %select_n3A_591 : vector<16xf32>
        %add3A_593 = arith.addi %mul3A_60, %scan3A_71 : i32
        %get3A_594 = arith.index_cast %add3A_593 : i32 to index
        %get3A_595 = arith.constant 544 : index
        %get3A_596 = tpu.vector_load %arg6[%get3A_594, %get3A_595] {strides = array<i32>} : memref<32x1000xf32, #tpu.memory_space<vmem>>, vector<1x16xf32>,
        %get3A_597 = vector.shape_cast %get3A_596 : vector<1x16xf32> to vector<16xf32>
        %exp3A_598 = math.exp %get3A_597 : vector<16xf32>
        %add3A_599 = arith.addf %add3A_584, %exp3A_598 : vector<16xf32>
        %add3A_600 = arith.constant 544 : i32
        %add3A_601 = vector.broadcast %add3A_600 : i32 to vector<16xi32>
        %add3A_602 = arith.addi %iota3A, %add3A_601 : vector<16xi32>
        %eq3A_603 = arith.cmpi eq, %add3A_602, %gather3A_82 : vector<16xi32>
        %jit3A_604 = arith.constant 0.000000e+00 : f32
        %broadcast_in_dim3A_605 = vector.broadcast %jit3A_604 : f32 to vector<16xf32>
        %select_n3A_606 = arith.select %eq3A_603, %get3A_597, %broadcast_in_dim3A_605 : vector<16xi1>, vector<16xf32>
        %add3A_607 = arith.addf %add3A_592, %select_n3A_606 : vector<16xf32>
        %add3A_608 = arith.addi %mul3A_60, %scan3A_71 : i32
        %get3A_609 = arith.index_cast %add3A_608 : i32 to index
        %get3A_610 = arith.constant 560 : index
        %get3A_611 = tpu.vector_load %arg6[%get3A_609, %get3A_610] {strides = array<i32>} : memref<32x1000xf32, #tpu.memory_space<vmem>>, vector<1x16xf32>,
        %get3A_612 = vector.shape_cast %get3A_611 : vector<1x16xf32> to vector<16xf32>
        %exp3A_613 = math.exp %get3A_612 : vector<16xf32>
        %add3A_614 = arith.addf %add3A_599, %exp3A_613 : vector<16xf32>
        %add3A_615 = arith.constant 560 : i32
        %add3A_616 = vector.broadcast %add3A_615 : i32 to vector<16xi32>
        %add3A_617 = arith.addi %iota3A, %add3A_616 : vector<16xi32>
        %eq3A_618 = arith.cmpi eq, %add3A_617, %gather3A_82 : vector<16xi32>
        %jit3A_619 = arith.constant 0.000000e+00 : f32
        %broadcast_in_dim3A_620 = vector.broadcast %jit3A_619 : f32 to vector<16xf32>
        %select_n3A_621 = arith.select %eq3A_618, %get3A_612, %broadcast_in_dim3A_620 : vector<16xi1>, vector<16xf32>
        %add3A_622 = arith.addf %add3A_607, %select_n3A_621 : vector<16xf32>
        %add3A_623 = arith.addi %mul3A_60, %scan3A_71 : i32
        %get3A_624 = arith.index_cast %add3A_623 : i32 to index
        %get3A_625 = arith.constant 576 : index
        %get3A_626 = tpu.vector_load %arg6[%get3A_624, %get3A_625] {strides = array<i32>} : memref<32x1000xf32, #tpu.memory_space<vmem>>, vector<1x16xf32>,
        %get3A_627 = vector.shape_cast %get3A_626 : vector<1x16xf32> to vector<16xf32>
        %exp3A_628 = math.exp %get3A_627 : vector<16xf32>
        %add3A_629 = arith.addf %add3A_614, %exp3A_628 : vector<16xf32>
        %add3A_630 = arith.constant 576 : i32
        %add3A_631 = vector.broadcast %add3A_630 : i32 to vector<16xi32>
        %add3A_632 = arith.addi %iota3A, %add3A_631 : vector<16xi32>
        %eq3A_633 = arith.cmpi eq, %add3A_632, %gather3A_82 : vector<16xi32>
        %jit3A_634 = arith.constant 0.000000e+00 : f32
        %broadcast_in_dim3A_635 = vector.broadcast %jit3A_634 : f32 to vector<16xf32>
        %select_n3A_636 = arith.select %eq3A_633, %get3A_627, %broadcast_in_dim3A_635 : vector<16xi1>, vector<16xf32>
        %add3A_637 = arith.addf %add3A_622, %select_n3A_636 : vector<16xf32>
        %add3A_638 = arith.addi %mul3A_60, %scan3A_71 : i32
        %get3A_639 = arith.index_cast %add3A_638 : i32 to index
        %get3A_640 = arith.constant 592 : index
        %get3A_641 = tpu.vector_load %arg6[%get3A_639, %get3A_640] {strides = array<i32>} : memref<32x1000xf32, #tpu.memory_space<vmem>>, vector<1x16xf32>,
        %get3A_642 = vector.shape_cast %get3A_641 : vector<1x16xf32> to vector<16xf32>
        %exp3A_643 = math.exp %get3A_642 : vector<16xf32>
        %add3A_644 = arith.addf %add3A_629, %exp3A_643 : vector<16xf32>
        %add3A_645 = arith.constant 592 : i32
        %add3A_646 = vector.broadcast %add3A_645 : i32 to vector<16xi32>
        %add3A_647 = arith.addi %iota3A, %add3A_646 : vector<16xi32>
        %eq3A_648 = arith.cmpi eq, %add3A_647, %gather3A_82 : vector<16xi32>
        %jit3A_649 = arith.constant 0.000000e+00 : f32
        %broadcast_in_dim3A_650 = vector.broadcast %jit3A_649 : f32 to vector<16xf32>
        %select_n3A_651 = arith.select %eq3A_648, %get3A_642, %broadcast_in_dim3A_650 : vector<16xi1>, vector<16xf32>
        %add3A_652 = arith.addf %add3A_637, %select_n3A_651 : vector<16xf32>
        %add3A_653 = arith.addi %mul3A_60, %scan3A_71 : i32
        %get3A_654 = arith.index_cast %add3A_653 : i32 to index
        %get3A_655 = arith.constant 608 : index
        %get3A_656 = tpu.vector_load %arg6[%get3A_654, %get3A_655] {strides = array<i32>} : memref<32x1000xf32, #tpu.memory_space<vmem>>, vector<1x16xf32>,
        %get3A_657 = vector.shape_cast %get3A_656 : vector<1x16xf32> to vector<16xf32>
        %exp3A_658 = math.exp %get3A_657 : vector<16xf32>
        %add3A_659 = arith.addf %add3A_644, %exp3A_658 : vector<16xf32>
        %add3A_660 = arith.constant 608 : i32
        %add3A_661 = vector.broadcast %add3A_660 : i32 to vector<16xi32>
        %add3A_662 = arith.addi %iota3A, %add3A_661 : vector<16xi32>
        %eq3A_663 = arith.cmpi eq, %add3A_662, %gather3A_82 : vector<16xi32>
        %jit3A_664 = arith.constant 0.000000e+00 : f32
        %broadcast_in_dim3A_665 = vector.broadcast %jit3A_664 : f32 to vector<16xf32>
        %select_n3A_666 = arith.select %eq3A_663, %get3A_657, %broadcast_in_dim3A_665 : vector<16xi1>, vector<16xf32>
        %add3A_667 = arith.addf %add3A_652, %select_n3A_666 : vector<16xf32>
        %add3A_668 = arith.addi %mul3A_60, %scan3A_71 : i32
        %get3A_669 = arith.index_cast %add3A_668 : i32 to index
        %get3A_670 = arith.constant 624 : index
        %get3A_671 = tpu.vector_load %arg6[%get3A_669, %get3A_670] {strides = array<i32>} : memref<32x1000xf32, #tpu.memory_space<vmem>>, vector<1x16xf32>,
        %get3A_672 = vector.shape_cast %get3A_671 : vector<1x16xf32> to vector<16xf32>
        %exp3A_673 = math.exp %get3A_672 : vector<16xf32>
        %add3A_674 = arith.addf %add3A_659, %exp3A_673 : vector<16xf32>
        %add3A_675 = arith.constant 624 : i32
        %add3A_676 = vector.broadcast %add3A_675 : i32 to vector<16xi32>
        %add3A_677 = arith.addi %iota3A, %add3A_676 : vector<16xi32>
        %eq3A_678 = arith.cmpi eq, %add3A_677, %gather3A_82 : vector<16xi32>
        %jit3A_679 = arith.constant 0.000000e+00 : f32
        %broadcast_in_dim3A_680 = vector.broadcast %jit3A_679 : f32 to vector<16xf32>
        %select_n3A_681 = arith.select %eq3A_678, %get3A_672, %broadcast_in_dim3A_680 : vector<16xi1>, vector<16xf32>
        %add3A_682 = arith.addf %add3A_667, %select_n3A_681 : vector<16xf32>
        %add3A_683 = arith.addi %mul3A_60, %scan3A_71 : i32
        %get3A_684 = arith.index_cast %add3A_683 : i32 to index
        %get3A_685 = arith.constant 640 : index
        %get3A_686 = tpu.vector_load %arg6[%get3A_684, %get3A_685] {strides = array<i32>} : memref<32x1000xf32, #tpu.memory_space<vmem>>, vector<1x16xf32>,
        %get3A_687 = vector.shape_cast %get3A_686 : vector<1x16xf32> to vector<16xf32>
        %exp3A_688 = math.exp %get3A_687 : vector<16xf32>
        %add3A_689 = arith.addf %add3A_674, %exp3A_688 : vector<16xf32>
        %add3A_690 = arith.constant 640 : i32
        %add3A_691 = vector.broadcast %add3A_690 : i32 to vector<16xi32>
        %add3A_692 = arith.addi %iota3A, %add3A_691 : vector<16xi32>
        %eq3A_693 = arith.cmpi eq, %add3A_692, %gather3A_82 : vector<16xi32>
        %jit3A_694 = arith.constant 0.000000e+00 : f32
        %broadcast_in_dim3A_695 = vector.broadcast %jit3A_694 : f32 to vector<16xf32>
        %select_n3A_696 = arith.select %eq3A_693, %get3A_687, %broadcast_in_dim3A_695 : vector<16xi1>, vector<16xf32>
        %add3A_697 = arith.addf %add3A_682, %select_n3A_696 : vector<16xf32>
        %add3A_698 = arith.addi %mul3A_60, %scan3A_71 : i32
        %get3A_699 = arith.index_cast %add3A_698 : i32 to index
        %get3A_700 = arith.constant 656 : index
        %get3A_701 = tpu.vector_load %arg6[%get3A_699, %get3A_700] {strides = array<i32>} : memref<32x1000xf32, #tpu.memory_space<vmem>>, vector<1x16xf32>,
        %get3A_702 = vector.shape_cast %get3A_701 : vector<1x16xf32> to vector<16xf32>
        %exp3A_703 = math.exp %get3A_702 : vector<16xf32>
        %add3A_704 = arith.addf %add3A_689, %exp3A_703 : vector<16xf32>
        %add3A_705 = arith.constant 656 : i32
        %add3A_706 = vector.broadcast %add3A_705 : i32 to vector<16xi32>
        %add3A_707 = arith.addi %iota3A, %add3A_706 : vector<16xi32>
        %eq3A_708 = arith.cmpi eq, %add3A_707, %gather3A_82 : vector<16xi32>
        %jit3A_709 = arith.constant 0.000000e+00 : f32
        %broadcast_in_dim3A_710 = vector.broadcast %jit3A_709 : f32 to vector<16xf32>
        %select_n3A_711 = arith.select %eq3A_708, %get3A_702, %broadcast_in_dim3A_710 : vector<16xi1>, vector<16xf32>
        %add3A_712 = arith.addf %add3A_697, %select_n3A_711 : vector<16xf32>
        %add3A_713 = arith.addi %mul3A_60, %scan3A_71 : i32
        %get3A_714 = arith.index_cast %add3A_713 : i32 to index
        %get3A_715 = arith.constant 672 : index
        %get3A_716 = tpu.vector_load %arg6[%get3A_714, %get3A_715] {strides = array<i32>} : memref<32x1000xf32, #tpu.memory_space<vmem>>, vector<1x16xf32>,
        %get3A_717 = vector.shape_cast %get3A_716 : vector<1x16xf32> to vector<16xf32>
        %exp3A_718 = math.exp %get3A_717 : vector<16xf32>
        %add3A_719 = arith.addf %add3A_704, %exp3A_718 : vector<16xf32>
        %add3A_720 = arith.constant 672 : i32
        %add3A_721 = vector.broadcast %add3A_720 : i32 to vector<16xi32>
        %add3A_722 = arith.addi %iota3A, %add3A_721 : vector<16xi32>
        %eq3A_723 = arith.cmpi eq, %add3A_722, %gather3A_82 : vector<16xi32>
        %jit3A_724 = arith.constant 0.000000e+00 : f32
        %broadcast_in_dim3A_725 = vector.broadcast %jit3A_724 : f32 to vector<16xf32>
        %select_n3A_726 = arith.select %eq3A_723, %get3A_717, %broadcast_in_dim3A_725 : vector<16xi1>, vector<16xf32>
        %add3A_727 = arith.addf %add3A_712, %select_n3A_726 : vector<16xf32>
        %add3A_728 = arith.addi %mul3A_60, %scan3A_71 : i32
        %get3A_729 = arith.index_cast %add3A_728 : i32 to index
        %get3A_730 = arith.constant 688 : index
        %get3A_731 = tpu.vector_load %arg6[%get3A_729, %get3A_730] {strides = array<i32>} : memref<32x1000xf32, #tpu.memory_space<vmem>>, vector<1x16xf32>,
        %get3A_732 = vector.shape_cast %get3A_731 : vector<1x16xf32> to vector<16xf32>
        %exp3A_733 = math.exp %get3A_732 : vector<16xf32>
        %add3A_734 = arith.addf %add3A_719, %exp3A_733 : vector<16xf32>
        %add3A_735 = arith.constant 688 : i32
        %add3A_736 = vector.broadcast %add3A_735 : i32 to vector<16xi32>
        %add3A_737 = arith.addi %iota3A, %add3A_736 : vector<16xi32>
        %eq3A_738 = arith.cmpi eq, %add3A_737, %gather3A_82 : vector<16xi32>
        %jit3A_739 = arith.constant 0.000000e+00 : f32
        %broadcast_in_dim3A_740 = vector.broadcast %jit3A_739 : f32 to vector<16xf32>
        %select_n3A_741 = arith.select %eq3A_738, %get3A_732, %broadcast_in_dim3A_740 : vector<16xi1>, vector<16xf32>
        %add3A_742 = arith.addf %add3A_727, %select_n3A_741 : vector<16xf32>
        %add3A_743 = arith.addi %mul3A_60, %scan3A_71 : i32
        %get3A_744 = arith.index_cast %add3A_743 : i32 to index
        %get3A_745 = arith.constant 704 : index
        %get3A_746 = tpu.vector_load %arg6[%get3A_744, %get3A_745] {strides = array<i32>} : memref<32x1000xf32, #tpu.memory_space<vmem>>, vector<1x16xf32>,
        %get3A_747 = vector.shape_cast %get3A_746 : vector<1x16xf32> to vector<16xf32>
        %exp3A_748 = math.exp %get3A_747 : vector<16xf32>
        %add3A_749 = arith.addf %add3A_734, %exp3A_748 : vector<16xf32>
        %add3A_750 = arith.constant 704 : i32
        %add3A_751 = vector.broadcast %add3A_750 : i32 to vector<16xi32>
        %add3A_752 = arith.addi %iota3A, %add3A_751 : vector<16xi32>
        %eq3A_753 = arith.cmpi eq, %add3A_752, %gather3A_82 : vector<16xi32>
        %jit3A_754 = arith.constant 0.000000e+00 : f32
        %broadcast_in_dim3A_755 = vector.broadcast %jit3A_754 : f32 to vector<16xf32>
        %select_n3A_756 = arith.select %eq3A_753, %get3A_747, %broadcast_in_dim3A_755 : vector<16xi1>, vector<16xf32>
        %add3A_757 = arith.addf %add3A_742, %select_n3A_756 : vector<16xf32>
        %add3A_758 = arith.addi %mul3A_60, %scan3A_71 : i32
        %get3A_759 = arith.index_cast %add3A_758 : i32 to index
        %get3A_760 = arith.constant 720 : index
        %get3A_761 = tpu.vector_load %arg6[%get3A_759, %get3A_760] {strides = array<i32>} : memref<32x1000xf32, #tpu.memory_space<vmem>>, vector<1x16xf32>,
        %get3A_762 = vector.shape_cast %get3A_761 : vector<1x16xf32> to vector<16xf32>
        %exp3A_763 = math.exp %get3A_762 : vector<16xf32>
        %add3A_764 = arith.addf %add3A_749, %exp3A_763 : vector<16xf32>
        %add3A_765 = arith.constant 720 : i32
        %add3A_766 = vector.broadcast %add3A_765 : i32 to vector<16xi32>
        %add3A_767 = arith.addi %iota3A, %add3A_766 : vector<16xi32>
        %eq3A_768 = arith.cmpi eq, %add3A_767, %gather3A_82 : vector<16xi32>
        %jit3A_769 = arith.constant 0.000000e+00 : f32
        %broadcast_in_dim3A_770 = vector.broadcast %jit3A_769 : f32 to vector<16xf32>
        %select_n3A_771 = arith.select %eq3A_768, %get3A_762, %broadcast_in_dim3A_770 : vector<16xi1>, vector<16xf32>
        %add3A_772 = arith.addf %add3A_757, %select_n3A_771 : vector<16xf32>
        %add3A_773 = arith.addi %mul3A_60, %scan3A_71 : i32
        %get3A_774 = arith.index_cast %add3A_773 : i32 to index
        %get3A_775 = arith.constant 736 : index
        %get3A_776 = tpu.vector_load %arg6[%get3A_774, %get3A_775] {strides = array<i32>} : memref<32x1000xf32, #tpu.memory_space<vmem>>, vector<1x16xf32>,
        %get3A_777 = vector.shape_cast %get3A_776 : vector<1x16xf32> to vector<16xf32>
        %exp3A_778 = math.exp %get3A_777 : vector<16xf32>
        %add3A_779 = arith.addf %add3A_764, %exp3A_778 : vector<16xf32>
        %add3A_780 = arith.constant 736 : i32
        %add3A_781 = vector.broadcast %add3A_780 : i32 to vector<16xi32>
        %add3A_782 = arith.addi %iota3A, %add3A_781 : vector<16xi32>
        %eq3A_783 = arith.cmpi eq, %add3A_782, %gather3A_82 : vector<16xi32>
        %jit3A_784 = arith.constant 0.000000e+00 : f32
        %broadcast_in_dim3A_785 = vector.broadcast %jit3A_784 : f32 to vector<16xf32>
        %select_n3A_786 = arith.select %eq3A_783, %get3A_777, %broadcast_in_dim3A_785 : vector<16xi1>, vector<16xf32>
        %add3A_787 = arith.addf %add3A_772, %select_n3A_786 : vector<16xf32>
        %add3A_788 = arith.addi %mul3A_60, %scan3A_71 : i32
        %get3A_789 = arith.index_cast %add3A_788 : i32 to index
        %get3A_790 = arith.constant 752 : index
        %get3A_791 = tpu.vector_load %arg6[%get3A_789, %get3A_790] {strides = array<i32>} : memref<32x1000xf32, #tpu.memory_space<vmem>>, vector<1x16xf32>,
        %get3A_792 = vector.shape_cast %get3A_791 : vector<1x16xf32> to vector<16xf32>
        %exp3A_793 = math.exp %get3A_792 : vector<16xf32>
        %add3A_794 = arith.addf %add3A_779, %exp3A_793 : vector<16xf32>
        %add3A_795 = arith.constant 752 : i32
        %add3A_796 = vector.broadcast %add3A_795 : i32 to vector<16xi32>
        %add3A_797 = arith.addi %iota3A, %add3A_796 : vector<16xi32>
        %eq3A_798 = arith.cmpi eq, %add3A_797, %gather3A_82 : vector<16xi32>
        %jit3A_799 = arith.constant 0.000000e+00 : f32
        %broadcast_in_dim3A_800 = vector.broadcast %jit3A_799 : f32 to vector<16xf32>
        %select_n3A_801 = arith.select %eq3A_798, %get3A_792, %broadcast_in_dim3A_800 : vector<16xi1>, vector<16xf32>
        %add3A_802 = arith.addf %add3A_787, %select_n3A_801 : vector<16xf32>
        %add3A_803 = arith.addi %mul3A_60, %scan3A_71 : i32
        %get3A_804 = arith.index_cast %add3A_803 : i32 to index
        %get3A_805 = arith.constant 768 : index
        %get3A_806 = tpu.vector_load %arg6[%get3A_804, %get3A_805] {strides = array<i32>} : memref<32x1000xf32, #tpu.memory_space<vmem>>, vector<1x16xf32>,
        %get3A_807 = vector.shape_cast %get3A_806 : vector<1x16xf32> to vector<16xf32>
        %exp3A_808 = math.exp %get3A_807 : vector<16xf32>
        %add3A_809 = arith.addf %add3A_794, %exp3A_808 : vector<16xf32>
        %add3A_810 = arith.constant 768 : i32
        %add3A_811 = vector.broadcast %add3A_810 : i32 to vector<16xi32>
        %add3A_812 = arith.addi %iota3A, %add3A_811 : vector<16xi32>
        %eq3A_813 = arith.cmpi eq, %add3A_812, %gather3A_82 : vector<16xi32>
        %jit3A_814 = arith.constant 0.000000e+00 : f32
        %broadcast_in_dim3A_815 = vector.broadcast %jit3A_814 : f32 to vector<16xf32>
        %select_n3A_816 = arith.select %eq3A_813, %get3A_807, %broadcast_in_dim3A_815 : vector<16xi1>, vector<16xf32>
        %add3A_817 = arith.addf %add3A_802, %select_n3A_816 : vector<16xf32>
        %add3A_818 = arith.addi %mul3A_60, %scan3A_71 : i32
        %get3A_819 = arith.index_cast %add3A_818 : i32 to index
        %get3A_820 = arith.constant 784 : index
        %get3A_821 = tpu.vector_load %arg6[%get3A_819, %get3A_820] {strides = array<i32>} : memref<32x1000xf32, #tpu.memory_space<vmem>>, vector<1x16xf32>,
        %get3A_822 = vector.shape_cast %get3A_821 : vector<1x16xf32> to vector<16xf32>
        %exp3A_823 = math.exp %get3A_822 : vector<16xf32>
        %add3A_824 = arith.addf %add3A_809, %exp3A_823 : vector<16xf32>
        %add3A_825 = arith.constant 784 : i32
        %add3A_826 = vector.broadcast %add3A_825 : i32 to vector<16xi32>
        %add3A_827 = arith.addi %iota3A, %add3A_826 : vector<16xi32>
        %eq3A_828 = arith.cmpi eq, %add3A_827, %gather3A_82 : vector<16xi32>
        %jit3A_829 = arith.constant 0.000000e+00 : f32
        %broadcast_in_dim3A_830 = vector.broadcast %jit3A_829 : f32 to vector<16xf32>
        %select_n3A_831 = arith.select %eq3A_828, %get3A_822, %broadcast_in_dim3A_830 : vector<16xi1>, vector<16xf32>
        %add3A_832 = arith.addf %add3A_817, %select_n3A_831 : vector<16xf32>
        %add3A_833 = arith.addi %mul3A_60, %scan3A_71 : i32
        %get3A_834 = arith.index_cast %add3A_833 : i32 to index
        %get3A_835 = arith.constant 800 : index
        %get3A_836 = tpu.vector_load %arg6[%get3A_834, %get3A_835] {strides = array<i32>} : memref<32x1000xf32, #tpu.memory_space<vmem>>, vector<1x16xf32>,
        %get3A_837 = vector.shape_cast %get3A_836 : vector<1x16xf32> to vector<16xf32>
        %exp3A_838 = math.exp %get3A_837 : vector<16xf32>
        %add3A_839 = arith.addf %add3A_824, %exp3A_838 : vector<16xf32>
        %add3A_840 = arith.constant 800 : i32
        %add3A_841 = vector.broadcast %add3A_840 : i32 to vector<16xi32>
        %add3A_842 = arith.addi %iota3A, %add3A_841 : vector<16xi32>
        %eq3A_843 = arith.cmpi eq, %add3A_842, %gather3A_82 : vector<16xi32>
        %jit3A_844 = arith.constant 0.000000e+00 : f32
        %broadcast_in_dim3A_845 = vector.broadcast %jit3A_844 : f32 to vector<16xf32>
        %select_n3A_846 = arith.select %eq3A_843, %get3A_837, %broadcast_in_dim3A_845 : vector<16xi1>, vector<16xf32>
        %add3A_847 = arith.addf %add3A_832, %select_n3A_846 : vector<16xf32>
        %add3A_848 = arith.addi %mul3A_60, %scan3A_71 : i32
        %get3A_849 = arith.index_cast %add3A_848 : i32 to index
        %get3A_850 = arith.constant 816 : index
        %get3A_851 = tpu.vector_load %arg6[%get3A_849, %get3A_850] {strides = array<i32>} : memref<32x1000xf32, #tpu.memory_space<vmem>>, vector<1x16xf32>,
        %get3A_852 = vector.shape_cast %get3A_851 : vector<1x16xf32> to vector<16xf32>
        %exp3A_853 = math.exp %get3A_852 : vector<16xf32>
        %add3A_854 = arith.addf %add3A_839, %exp3A_853 : vector<16xf32>
        %add3A_855 = arith.constant 816 : i32
        %add3A_856 = vector.broadcast %add3A_855 : i32 to vector<16xi32>
        %add3A_857 = arith.addi %iota3A, %add3A_856 : vector<16xi32>
        %eq3A_858 = arith.cmpi eq, %add3A_857, %gather3A_82 : vector<16xi32>
        %jit3A_859 = arith.constant 0.000000e+00 : f32
        %broadcast_in_dim3A_860 = vector.broadcast %jit3A_859 : f32 to vector<16xf32>
        %select_n3A_861 = arith.select %eq3A_858, %get3A_852, %broadcast_in_dim3A_860 : vector<16xi1>, vector<16xf32>
        %add3A_862 = arith.addf %add3A_847, %select_n3A_861 : vector<16xf32>
        %add3A_863 = arith.addi %mul3A_60, %scan3A_71 : i32
        %get3A_864 = arith.index_cast %add3A_863 : i32 to index
        %get3A_865 = arith.constant 832 : index
        %get3A_866 = tpu.vector_load %arg6[%get3A_864, %get3A_865] {strides = array<i32>} : memref<32x1000xf32, #tpu.memory_space<vmem>>, vector<1x16xf32>,
        %get3A_867 = vector.shape_cast %get3A_866 : vector<1x16xf32> to vector<16xf32>
        %exp3A_868 = math.exp %get3A_867 : vector<16xf32>
        %add3A_869 = arith.addf %add3A_854, %exp3A_868 : vector<16xf32>
        %add3A_870 = arith.constant 832 : i32
        %add3A_871 = vector.broadcast %add3A_870 : i32 to vector<16xi32>
        %add3A_872 = arith.addi %iota3A, %add3A_871 : vector<16xi32>
        %eq3A_873 = arith.cmpi eq, %add3A_872, %gather3A_82 : vector<16xi32>
        %jit3A_874 = arith.constant 0.000000e+00 : f32
        %broadcast_in_dim3A_875 = vector.broadcast %jit3A_874 : f32 to vector<16xf32>
        %select_n3A_876 = arith.select %eq3A_873, %get3A_867, %broadcast_in_dim3A_875 : vector<16xi1>, vector<16xf32>
        %add3A_877 = arith.addf %add3A_862, %select_n3A_876 : vector<16xf32>
        %add3A_878 = arith.addi %mul3A_60, %scan3A_71 : i32
        %get3A_879 = arith.index_cast %add3A_878 : i32 to index
        %get3A_880 = arith.constant 848 : index
        %get3A_881 = tpu.vector_load %arg6[%get3A_879, %get3A_880] {strides = array<i32>} : memref<32x1000xf32, #tpu.memory_space<vmem>>, vector<1x16xf32>,
        %get3A_882 = vector.shape_cast %get3A_881 : vector<1x16xf32> to vector<16xf32>
        %exp3A_883 = math.exp %get3A_882 : vector<16xf32>
        %add3A_884 = arith.addf %add3A_869, %exp3A_883 : vector<16xf32>
        %add3A_885 = arith.constant 848 : i32
        %add3A_886 = vector.broadcast %add3A_885 : i32 to vector<16xi32>
        %add3A_887 = arith.addi %iota3A, %add3A_886 : vector<16xi32>
        %eq3A_888 = arith.cmpi eq, %add3A_887, %gather3A_82 : vector<16xi32>
        %jit3A_889 = arith.constant 0.000000e+00 : f32
        %broadcast_in_dim3A_890 = vector.broadcast %jit3A_889 : f32 to vector<16xf32>
        %select_n3A_891 = arith.select %eq3A_888, %get3A_882, %broadcast_in_dim3A_890 : vector<16xi1>, vector<16xf32>
        %add3A_892 = arith.addf %add3A_877, %select_n3A_891 : vector<16xf32>
        %add3A_893 = arith.addi %mul3A_60, %scan3A_71 : i32
        %get3A_894 = arith.index_cast %add3A_893 : i32 to index
        %get3A_895 = arith.constant 864 : index
        %get3A_896 = tpu.vector_load %arg6[%get3A_894, %get3A_895] {strides = array<i32>} : memref<32x1000xf32, #tpu.memory_space<vmem>>, vector<1x16xf32>,
        %get3A_897 = vector.shape_cast %get3A_896 : vector<1x16xf32> to vector<16xf32>
        %exp3A_898 = math.exp %get3A_897 : vector<16xf32>
        %add3A_899 = arith.addf %add3A_884, %exp3A_898 : vector<16xf32>
        %add3A_900 = arith.constant 864 : i32
        %add3A_901 = vector.broadcast %add3A_900 : i32 to vector<16xi32>
        %add3A_902 = arith.addi %iota3A, %add3A_901 : vector<16xi32>
        %eq3A_903 = arith.cmpi eq, %add3A_902, %gather3A_82 : vector<16xi32>
        %jit3A_904 = arith.constant 0.000000e+00 : f32
        %broadcast_in_dim3A_905 = vector.broadcast %jit3A_904 : f32 to vector<16xf32>
        %select_n3A_906 = arith.select %eq3A_903, %get3A_897, %broadcast_in_dim3A_905 : vector<16xi1>, vector<16xf32>
        %add3A_907 = arith.addf %add3A_892, %select_n3A_906 : vector<16xf32>
        %add3A_908 = arith.addi %mul3A_60, %scan3A_71 : i32
        %get3A_909 = arith.index_cast %add3A_908 : i32 to index
        %get3A_910 = arith.constant 880 : index
        %get3A_911 = tpu.vector_load %arg6[%get3A_909, %get3A_910] {strides = array<i32>} : memref<32x1000xf32, #tpu.memory_space<vmem>>, vector<1x16xf32>,
        %get3A_912 = vector.shape_cast %get3A_911 : vector<1x16xf32> to vector<16xf32>
        %exp3A_913 = math.exp %get3A_912 : vector<16xf32>
        %add3A_914 = arith.addf %add3A_899, %exp3A_913 : vector<16xf32>
        %add3A_915 = arith.constant 880 : i32
        %add3A_916 = vector.broadcast %add3A_915 : i32 to vector<16xi32>
        %add3A_917 = arith.addi %iota3A, %add3A_916 : vector<16xi32>
        %eq3A_918 = arith.cmpi eq, %add3A_917, %gather3A_82 : vector<16xi32>
        %jit3A_919 = arith.constant 0.000000e+00 : f32
        %broadcast_in_dim3A_920 = vector.broadcast %jit3A_919 : f32 to vector<16xf32>
        %select_n3A_921 = arith.select %eq3A_918, %get3A_912, %broadcast_in_dim3A_920 : vector<16xi1>, vector<16xf32>
        %add3A_922 = arith.addf %add3A_907, %select_n3A_921 : vector<16xf32>
        %add3A_923 = arith.addi %mul3A_60, %scan3A_71 : i32
        %get3A_924 = arith.index_cast %add3A_923 : i32 to index
        %get3A_925 = arith.constant 896 : index
        %get3A_926 = tpu.vector_load %arg6[%get3A_924, %get3A_925] {strides = array<i32>} : memref<32x1000xf32, #tpu.memory_space<vmem>>, vector<1x16xf32>,
        %get3A_927 = vector.shape_cast %get3A_926 : vector<1x16xf32> to vector<16xf32>
        %exp3A_928 = math.exp %get3A_927 : vector<16xf32>
        %add3A_929 = arith.addf %add3A_914, %exp3A_928 : vector<16xf32>
        %add3A_930 = arith.constant 896 : i32
        %add3A_931 = vector.broadcast %add3A_930 : i32 to vector<16xi32>
        %add3A_932 = arith.addi %iota3A, %add3A_931 : vector<16xi32>
        %eq3A_933 = arith.cmpi eq, %add3A_932, %gather3A_82 : vector<16xi32>
        %jit3A_934 = arith.constant 0.000000e+00 : f32
        %broadcast_in_dim3A_935 = vector.broadcast %jit3A_934 : f32 to vector<16xf32>
        %select_n3A_936 = arith.select %eq3A_933, %get3A_927, %broadcast_in_dim3A_935 : vector<16xi1>, vector<16xf32>
        %add3A_937 = arith.addf %add3A_922, %select_n3A_936 : vector<16xf32>
        %add3A_938 = arith.addi %mul3A_60, %scan3A_71 : i32
        %get3A_939 = arith.index_cast %add3A_938 : i32 to index
        %get3A_940 = arith.constant 912 : index
        %get3A_941 = tpu.vector_load %arg6[%get3A_939, %get3A_940] {strides = array<i32>} : memref<32x1000xf32, #tpu.memory_space<vmem>>, vector<1x16xf32>,
        %get3A_942 = vector.shape_cast %get3A_941 : vector<1x16xf32> to vector<16xf32>
        %exp3A_943 = math.exp %get3A_942 : vector<16xf32>
        %add3A_944 = arith.addf %add3A_929, %exp3A_943 : vector<16xf32>
        %add3A_945 = arith.constant 912 : i32
        %add3A_946 = vector.broadcast %add3A_945 : i32 to vector<16xi32>
        %add3A_947 = arith.addi %iota3A, %add3A_946 : vector<16xi32>
        %eq3A_948 = arith.cmpi eq, %add3A_947, %gather3A_82 : vector<16xi32>
        %jit3A_949 = arith.constant 0.000000e+00 : f32
        %broadcast_in_dim3A_950 = vector.broadcast %jit3A_949 : f32 to vector<16xf32>
        %select_n3A_951 = arith.select %eq3A_948, %get3A_942, %broadcast_in_dim3A_950 : vector<16xi1>, vector<16xf32>
        %add3A_952 = arith.addf %add3A_937, %select_n3A_951 : vector<16xf32>
        %add3A_953 = arith.addi %mul3A_60, %scan3A_71 : i32
        %get3A_954 = arith.index_cast %add3A_953 : i32 to index
        %get3A_955 = arith.constant 928 : index
        %get3A_956 = tpu.vector_load %arg6[%get3A_954, %get3A_955] {strides = array<i32>} : memref<32x1000xf32, #tpu.memory_space<vmem>>, vector<1x16xf32>,
        %get3A_957 = vector.shape_cast %get3A_956 : vector<1x16xf32> to vector<16xf32>
        %exp3A_958 = math.exp %get3A_957 : vector<16xf32>
        %add3A_959 = arith.addf %add3A_944, %exp3A_958 : vector<16xf32>
        %add3A_960 = arith.constant 928 : i32
        %add3A_961 = vector.broadcast %add3A_960 : i32 to vector<16xi32>
        %add3A_962 = arith.addi %iota3A, %add3A_961 : vector<16xi32>
        %eq3A_963 = arith.cmpi eq, %add3A_962, %gather3A_82 : vector<16xi32>
        %jit3A_964 = arith.constant 0.000000e+00 : f32
        %broadcast_in_dim3A_965 = vector.broadcast %jit3A_964 : f32 to vector<16xf32>
        %select_n3A_966 = arith.select %eq3A_963, %get3A_957, %broadcast_in_dim3A_965 : vector<16xi1>, vector<16xf32>
        %add3A_967 = arith.addf %add3A_952, %select_n3A_966 : vector<16xf32>
        %add3A_968 = arith.addi %mul3A_60, %scan3A_71 : i32
        %get3A_969 = arith.index_cast %add3A_968 : i32 to index
        %get3A_970 = arith.constant 944 : index
        %get3A_971 = tpu.vector_load %arg6[%get3A_969, %get3A_970] {strides = array<i32>} : memref<32x1000xf32, #tpu.memory_space<vmem>>, vector<1x16xf32>,
        %get3A_972 = vector.shape_cast %get3A_971 : vector<1x16xf32> to vector<16xf32>
        %exp3A_973 = math.exp %get3A_972 : vector<16xf32>
        %add3A_974 = arith.addf %add3A_959, %exp3A_973 : vector<16xf32>
        %add3A_975 = arith.constant 944 : i32
        %add3A_976 = vector.broadcast %add3A_975 : i32 to vector<16xi32>
        %add3A_977 = arith.addi %iota3A, %add3A_976 : vector<16xi32>
        %eq3A_978 = arith.cmpi eq, %add3A_977, %gather3A_82 : vector<16xi32>
        %jit3A_979 = arith.constant 0.000000e+00 : f32
        %broadcast_in_dim3A_980 = vector.broadcast %jit3A_979 : f32 to vector<16xf32>
        %select_n3A_981 = arith.select %eq3A_978, %get3A_972, %broadcast_in_dim3A_980 : vector<16xi1>, vector<16xf32>
        %add3A_982 = arith.addf %add3A_967, %select_n3A_981 : vector<16xf32>
        %add3A_983 = arith.addi %mul3A_60, %scan3A_71 : i32
        %get3A_984 = arith.index_cast %add3A_983 : i32 to index
        %get3A_985 = arith.constant 960 : index
        %get3A_986 = tpu.vector_load %arg6[%get3A_984, %get3A_985] {strides = array<i32>} : memref<32x1000xf32, #tpu.memory_space<vmem>>, vector<1x16xf32>,
        %get3A_987 = vector.shape_cast %get3A_986 : vector<1x16xf32> to vector<16xf32>
        %exp3A_988 = math.exp %get3A_987 : vector<16xf32>
        %add3A_989 = arith.addf %add3A_974, %exp3A_988 : vector<16xf32>
        %add3A_990 = arith.constant 960 : i32
        %add3A_991 = vector.broadcast %add3A_990 : i32 to vector<16xi32>
        %add3A_992 = arith.addi %iota3A, %add3A_991 : vector<16xi32>
        %eq3A_993 = arith.cmpi eq, %add3A_992, %gather3A_82 : vector<16xi32>
        %jit3A_994 = arith.constant 0.000000e+00 : f32
        %broadcast_in_dim3A_995 = vector.broadcast %jit3A_994 : f32 to vector<16xf32>
        %select_n3A_996 = arith.select %eq3A_993, %get3A_987, %broadcast_in_dim3A_995 : vector<16xi1>, vector<16xf32>
        %add3A_997 = arith.addf %add3A_982, %select_n3A_996 : vector<16xf32>
        %add3A_998 = arith.addi %mul3A_60, %scan3A_71 : i32
        %get3A_999 = arith.index_cast %add3A_998 : i32 to index
        %get3A_1000 = arith.constant 976 : index
        %get3A_1001 = tpu.vector_load %arg6[%get3A_999, %get3A_1000] {strides = array<i32>} : memref<32x1000xf32, #tpu.memory_space<vmem>>, vector<1x16xf32>,
        %get3A_1002 = vector.shape_cast %get3A_1001 : vector<1x16xf32> to vector<16xf32>
        %exp3A_1003 = math.exp %get3A_1002 : vector<16xf32>
        %add3A_1004 = arith.addf %add3A_989, %exp3A_1003 : vector<16xf32>
        %add3A_1005 = arith.constant 976 : i32
        %add3A_1006 = vector.broadcast %add3A_1005 : i32 to vector<16xi32>
        %add3A_1007 = arith.addi %iota3A, %add3A_1006 : vector<16xi32>
        %eq3A_1008 = arith.cmpi eq, %add3A_1007, %gather3A_82 : vector<16xi32>
        %jit3A_1009 = arith.constant 0.000000e+00 : f32
        %broadcast_in_dim3A_1010 = vector.broadcast %jit3A_1009 : f32 to vector<16xf32>
        %select_n3A_1011 = arith.select %eq3A_1008, %get3A_1002, %broadcast_in_dim3A_1010 : vector<16xi1>, vector<16xf32>
        %add3A_1012 = arith.addf %add3A_997, %select_n3A_1011 : vector<16xf32>
        %add3A_1013 = arith.addi %mul3A_60, %scan3A_71 : i32
        %get3A_1014 = arith.index_cast %add3A_1013 : i32 to index
        %get3A_1015 = arith.constant 984 : index
        %get3A_1016 = tpu.vector_load %arg6[%get3A_1014, %get3A_1015] {strides = array<i32>} : memref<32x1000xf32, #tpu.memory_space<vmem>>, vector<1x16xf32>,
        %get3A_1017 = vector.shape_cast %get3A_1016 : vector<1x16xf32> to vector<16xf32>
        %exp3A_1018 = math.exp %get3A_1017 : vector<16xf32>
        %jit3A_1019 = arith.constant 0.000000e+00 : f32
        %broadcast_in_dim3A_1020 = vector.broadcast %jit3A_1019 : f32 to vector<16xf32>
        %select_n3A_1021 = arith.select %ge3A_4, %exp3A_1018, %broadcast_in_dim3A_1020 : vector<16xi1>, vector<16xf32>
        %add3A_1022 = arith.addf %add3A_1004, %select_n3A_1021 : vector<16xf32>
        %add3A_1023 = arith.constant 984 : i32
        %add3A_1024 = vector.broadcast %add3A_1023 : i32 to vector<16xi32>
        %add3A_1025 = arith.addi %iota3A, %add3A_1024 : vector<16xi32>
        %eq3A_1026 = arith.cmpi eq, %add3A_1025, %gather3A_82 : vector<16xi32>
        %and3A = arith.andi %ge3A_4, %eq3A_1026 : vector<16xi1>
        %jit3A_1027 = arith.constant 0.000000e+00 : f32
        %broadcast_in_dim3A_1028 = vector.broadcast %jit3A_1027 : f32 to vector<16xf32>
        %select_n3A_1029 = arith.select %and3A, %get3A_1017, %broadcast_in_dim3A_1028 : vector<16xi1>, vector<16xf32>
        %add3A_1030 = arith.addf %add3A_1012, %select_n3A_1029 : vector<16xf32>
        %mul3A_1031 = arith.constant 16 : i32
        %mul3A_1032 = arith.muli %scan3A_43, %mul3A_1031 : i32
        %add3A_1033 = arith.addi %mul3A_1032, %scan3A_71 : i32
        %mul3A_1034 = arith.constant 16 : i32
        %mul3A_1035 = arith.muli %add3A_1033, %mul3A_1034 : i32
        %swap3A = arith.index_cast %mul3A_1035 : i32 to index
        %swap3A_1036 = tpu.vector_load %arg8[%swap3A] {strides = array<i32>} : memref<2048xf32, #tpu.memory_space<vmem>>, vector<16xf32>,
        %swap3A_1037 = vector.shape_cast %swap3A_1036 : vector<16xf32> to vector<16xf32>
        %swap3A_1038 = vector.shape_cast %add3A_1022 : vector<16xf32> to vector<16xf32>
        tpu.vector_store %arg8[%swap3A], %swap3A_1038 {strides = array<i32>} : memref<2048xf32, #tpu.memory_space<vmem>>, vector<16xf32>,
        %mul3A_1039 = arith.constant 16 : i32
        %mul3A_1040 = arith.muli %scan3A_43, %mul3A_1039 : i32
        %add3A_1041 = arith.addi %mul3A_1040, %scan3A_71 : i32
        %mul3A_1042 = arith.constant 16 : i32
        %mul3A_1043 = arith.muli %add3A_1041, %mul3A_1042 : i32
        %swap3A_1044 = arith.index_cast %mul3A_1043 : i32 to index
        %swap3A_1045 = tpu.vector_load %arg9[%swap3A_1044] {strides = array<i32>} : memref<2048xf32, #tpu.memory_space<vmem>>, vector<16xf32>,
        %swap3A_1046 = vector.shape_cast %swap3A_1045 : vector<16xf32> to vector<16xf32>
        %swap3A_1047 = vector.shape_cast %add3A_1030 : vector<16xf32> to vector<16xf32>
        tpu.vector_store %arg9[%swap3A_1044], %swap3A_1047 {strides = array<i32>} : memref<2048xf32, #tpu.memory_space<vmem>>, vector<16xf32>,
      }
      %scan3A_66 = arith.constant 16 : i32
      %add3A_67 = arith.constant 2 : i32
      %add3A_68 = arith.addi %scan3A_43, %add3A_67 : i32
      %lt3A = arith.constant 8 : i32
      %lt3A_69 = arith.cmpi slt, %add3A_68, %lt3A : i32
      %convert_element_type3A = arith.extui %lt3A_69 : i1 to i32
      %cond3A = arith.constant 0 : i32
      %cond3A_70 = arith.cmpi ne, %convert_element_type3A, %cond3A : i32
      scf.if %cond3A_70 {
        %add3A_71 = arith.constant 2 : i32
        %add3A_72 = arith.addi %scan3A_43, %add3A_71 : i32
        %mul3A_73 = arith.constant 16 : i32
        %mul3A_74 = arith.muli %add3A_72, %mul3A_73 : i32
        %add3A_75 = arith.addi %mul3A_2, %mul3A_74 : i32
        %mul3A_76 = arith.constant 16 : i32
        %mul3A_77 = arith.muli %rem3A_44, %mul3A_76 : i32
        %dma_start3A_78 = arith.constant 0 : i32
        %dma_start3A_79 = tpu.memref_slice %arg6[%mul3A_77, %dma_start3A_78] : memref<32x1000xf32, #tpu.memory_space<vmem>> -> memref<16x1000xf32, #tpu.memory_space<vmem>>
        %dma_start3A_80 = arith.constant 0 : i32
        %dma_start3A_81 = tpu.memref_slice %arg2[%add3A_75, %dma_start3A_80] : memref<16384x1000xf32, #tpu.memory_space<hbm>> -> memref<16x1000xf32, #tpu.memory_space<hbm>>
        %dma_start3A_82 = tpu.memref_slice %arg10[%rem3A_44] : memref<2x!tpu.dma_semaphore, #tpu.memory_space<semaphore_mem>> -> memref<1x!tpu.dma_semaphore, #tpu.memory_space<semaphore_mem>>
        %dma_start3A_83 = tpu.memref_squeeze %dma_start3A_82 : memref<1x!tpu.dma_semaphore, #tpu.memory_space<semaphore_mem>> -> memref<!tpu.dma_semaphore, #tpu.memory_space<semaphore_mem>>
        %dma_start3A_84 = arith.constant 0 : i32
        %dma_start3A_85 = tpu.memref_slice %arg6[%mul3A_77, %dma_start3A_84] : memref<32x1000xf32, #tpu.memory_space<vmem>> -> memref<16x1000xf32, #tpu.memory_space<vmem>>
        %dma_start3A_86 = arith.constant 0 : i32
        %dma_start3A_87 = tpu.memref_slice %arg2[%add3A_75, %dma_start3A_86] : memref<16384x1000xf32, #tpu.memory_space<hbm>> -> memref<16x1000xf32, #tpu.memory_space<hbm>>
        tpu.enqueue_dma source(%dma_start3A_87 : memref<16x1000xf32, #tpu.memory_space<hbm>>) target(%dma_start3A_85 : memref<16x1000xf32, #tpu.memory_space<vmem>>) target_semaphore(%dma_start3A_83 : memref<!tpu.dma_semaphore, #tpu.memory_space<semaphore_mem>>)
      } else {
      }
    }
    %scan3A_38 = arith.constant 8 : i32
    %mul3A_39 = arith.constant 16 : i32
    %mul3A_40 = arith.muli %mul3A_2, %mul3A_39 : i32
    "tpu.region"() ({
      %run_scoped3A = tpu.sem_alloc : memref<!tpu.dma_semaphore, #tpu.memory_space<semaphore_mem>>
      %dma_start3A_43 = tpu.memref_slice %arg4[%mul3A_40] : memref<65536xf32, #tpu.memory_space<hbm>> -> memref<2048xf32, #tpu.memory_space<hbm>>
      %dma_start3A_44 = tpu.memref_slice %arg4[%mul3A_40] : memref<65536xf32, #tpu.memory_space<hbm>> -> memref<2048xf32, #tpu.memory_space<hbm>>
      tpu.enqueue_dma source(%arg8 : memref<2048xf32, #tpu.memory_space<vmem>>) target(%dma_start3A_44 : memref<2048xf32, #tpu.memory_space<hbm>>) target_semaphore(%run_scoped3A : memref<!tpu.dma_semaphore, #tpu.memory_space<semaphore_mem>>)
      %dma_wait3A = tpu.memref_slice %arg4[%mul3A_40] : memref<65536xf32, #tpu.memory_space<hbm>> -> memref<2048xf32, #tpu.memory_space<hbm>>
      %dma_wait3A_45 = tpu.memref_slice %arg4[%mul3A_40] : memref<65536xf32, #tpu.memory_space<hbm>> -> memref<2048xf32, #tpu.memory_space<hbm>>
      tpu.wait_dma2 semaphore(%run_scoped3A : memref<!tpu.dma_semaphore, #tpu.memory_space<semaphore_mem>>) src(%arg8 : memref<2048xf32, #tpu.memory_space<vmem>>) dst(%dma_wait3A_45 : memref<2048xf32, #tpu.memory_space<hbm>>)
      tpu.yield
    }) : () -> ()
    %mul3A_41 = arith.constant 16 : i32
    %mul3A_42 = arith.muli %mul3A_2, %mul3A_41 : i32
    "tpu.region"() ({
      %run_scoped3A = tpu.sem_alloc : memref<!tpu.dma_semaphore, #tpu.memory_space<semaphore_mem>>
      %dma_start3A_43 = tpu.memref_slice %arg5[%mul3A_42] : memref<65536xf32, #tpu.memory_space<hbm>> -> memref<2048xf32, #tpu.memory_space<hbm>>
      %dma_start3A_44 = tpu.memref_slice %arg5[%mul3A_42] : memref<65536xf32, #tpu.memory_space<hbm>> -> memref<2048xf32, #tpu.memory_space<hbm>>
      tpu.enqueue_dma source(%arg9 : memref<2048xf32, #tpu.memory_space<vmem>>) target(%dma_start3A_44 : memref<2048xf32, #tpu.memory_space<hbm>>) target_semaphore(%run_scoped3A : memref<!tpu.dma_semaphore, #tpu.memory_space<semaphore_mem>>)
      %dma_wait3A = tpu.memref_slice %arg5[%mul3A_42] : memref<65536xf32, #tpu.memory_space<hbm>> -> memref<2048xf32, #tpu.memory_space<hbm>>
      %dma_wait3A_45 = tpu.memref_slice %arg5[%mul3A_42] : memref<65536xf32, #tpu.memory_space<hbm>> -> memref<2048xf32, #tpu.memory_space<hbm>>
      tpu.wait_dma2 semaphore(%run_scoped3A : memref<!tpu.dma_semaphore, #tpu.memory_space<semaphore_mem>>) src(%arg9 : memref<2048xf32, #tpu.memory_space<vmem>>) dst(%dma_wait3A_45 : memref<2048xf32, #tpu.memory_space<hbm>>)
      tpu.yield
    }) : () -> ()
    return
  }
}

module attributes {stable_mosaic.version = 14 : i64} {
  func.func @_tc_tail_body(%arg0: i32, %arg1: memref<512x128xf32, #tpu.memory_space<vmem>>, %arg2: memref<512x128xf32, #tpu.memory_space<vmem>>, %arg3: memref<96x128xf32, #tpu.memory_space<vmem>>, %arg4: memref<1x1xf32, #tpu.memory_space<smem>>) attributes {dimension_semantics = [#tpu.dimension_semantics<arbitrary>], iteration_bounds = array<i64: 1>, scalar_prefetch = 0 : i64, scratch_operands = 0 : i64, tpu.core_type = #tpu.core_type<tc>, window_params = [{pipeline_mode = #tpu.pipeline_mode<synchronous>, transform_indices = @transform_0, window_bounds = array<i64: 512, 128>}, {pipeline_mode = #tpu.pipeline_mode<synchronous>, transform_indices = @transform_1, window_bounds = array<i64: 512, 128>}, {pipeline_mode = #tpu.pipeline_mode<synchronous>, transform_indices = @transform_2, window_bounds = array<i64: 96, 128>}, {transform_indices = @transform_3, window_bounds = array<i64: 1, 1>}]} {
    %get3A = arith.constant 0 : index
    %get3A_0 = arith.constant 0 : index
    %get3A_1 = vector.load %arg1[%get3A, %get3A_0] : memref<512x128xf32, #tpu.memory_space<vmem>>, vector<512x128xf32>
    %get3A_2 = arith.constant 0 : index
    %get3A_3 = arith.constant 0 : index
    %get3A_4 = vector.load %arg2[%get3A_2, %get3A_3] : memref<512x128xf32, #tpu.memory_space<vmem>>, vector<512x128xf32>
    %roll3A = arith.constant 127 : i32
    %roll3A_5 = tpu.dynamic_rotate %get3A_1 by %roll3A dim 1 : vector<512x128xf32>, i32 -> vector<512x128xf32>
    %add3A = arith.addf %get3A_1, %roll3A_5 : vector<512x128xf32>
    %roll3A_6 = arith.constant 127 : i32
    %roll3A_7 = tpu.dynamic_rotate %get3A_4 by %roll3A_6 dim 1 : vector<512x128xf32>, i32 -> vector<512x128xf32>
    %add3A_8 = arith.addf %get3A_4, %roll3A_7 : vector<512x128xf32>
    %roll3A_9 = arith.constant 126 : i32
    %roll3A_10 = tpu.dynamic_rotate %add3A by %roll3A_9 dim 1 : vector<512x128xf32>, i32 -> vector<512x128xf32>
    %add3A_11 = arith.addf %add3A, %roll3A_10 : vector<512x128xf32>
    %roll3A_12 = arith.constant 126 : i32
    %roll3A_13 = tpu.dynamic_rotate %add3A_8 by %roll3A_12 dim 1 : vector<512x128xf32>, i32 -> vector<512x128xf32>
    %add3A_14 = arith.addf %add3A_8, %roll3A_13 : vector<512x128xf32>
    %roll3A_15 = arith.constant 124 : i32
    %roll3A_16 = tpu.dynamic_rotate %add3A_11 by %roll3A_15 dim 1 : vector<512x128xf32>, i32 -> vector<512x128xf32>
    %add3A_17 = arith.addf %add3A_11, %roll3A_16 : vector<512x128xf32>
    %roll3A_18 = arith.constant 124 : i32
    %roll3A_19 = tpu.dynamic_rotate %add3A_14 by %roll3A_18 dim 1 : vector<512x128xf32>, i32 -> vector<512x128xf32>
    %add3A_20 = arith.addf %add3A_14, %roll3A_19 : vector<512x128xf32>
    %roll3A_21 = arith.constant 120 : i32
    %roll3A_22 = tpu.dynamic_rotate %add3A_17 by %roll3A_21 dim 1 : vector<512x128xf32>, i32 -> vector<512x128xf32>
    %add3A_23 = arith.addf %add3A_17, %roll3A_22 : vector<512x128xf32>
    %roll3A_24 = arith.constant 120 : i32
    %roll3A_25 = tpu.dynamic_rotate %add3A_20 by %roll3A_24 dim 1 : vector<512x128xf32>, i32 -> vector<512x128xf32>
    %add3A_26 = arith.addf %add3A_20, %roll3A_25 : vector<512x128xf32>
    %iota3A = tpu.iota {dimensions = array<i32: 1>} : vector<512x128xi32>
    %rem3A = arith.constant 16 : i32
    %rem3A_27 = vector.broadcast %rem3A : i32 to vector<512x128xi32>
    %rem3A_28 = arith.remsi %iota3A, %rem3A_27 : vector<512x128xi32>
    %eq3A = arith.constant 0 : i32
    %eq3A_29 = vector.broadcast %eq3A : i32 to vector<512x128xi32>
    %eq3A_30 = arith.cmpi eq, %rem3A_28, %eq3A_29 : vector<512x128xi32>
    %log3A = math.log %add3A_23 : vector<512x128xf32>
    %sub3A = arith.subf %log3A, %add3A_26 : vector<512x128xf32>
    %jit3A = arith.constant 0.000000e+00 : f32
    %broadcast_in_dim3A = vector.broadcast %jit3A : f32 to vector<512x128xf32>
    %select_n3A = arith.select %eq3A_30, %sub3A, %broadcast_in_dim3A : vector<512x128xi1>, vector<512x128xf32>
    %get3A_31 = arith.constant 0 : index
    %get3A_32 = arith.constant 0 : index
    %get3A_33 = vector.load %arg3[%get3A_31, %get3A_32] : memref<96x128xf32, #tpu.memory_space<vmem>>, vector<96x128xf32>
    %bitcast_convert_type3A = tpu.bitcast %select_n3A : vector<512x128xf32> -> vector<512x128xi32>
    %bitcast_convert_type3A_34 = tpu.bitcast %get3A_33 : vector<96x128xf32> -> vector<96x128xi32>
    %scan3A = arith.constant 0 : i32
    %scan3A_35 = arith.constant 0 : i32
    %scan3A_36 = arith.constant 31 : i32
    %scan3A_37 = arith.addi %scan3A_35, %scan3A_36 : i32
    %scan3A_38 = arith.constant 1 : i32
    %scan3A_39 = scf.for %scan3A_88 = %scan3A_35 to %scan3A_37 step %scan3A_38 iter_args(%scan3A_89 = %scan3A) -> (i32)  : i32 {
      %sub3A_90 = arith.constant 30 : i32
      %sub3A_91 = arith.subi %sub3A_90, %scan3A_88 : i32
      %shift_left3A = arith.constant 1 : i32
      %shift_left3A_92 = arith.shli %shift_left3A, %sub3A_91 : i32
      %or3A = arith.ori %scan3A_89, %shift_left3A_92 : i32
      %ge3A = vector.broadcast %or3A : i32 to vector<512x128xi32>
      %ge3A_93 = arith.cmpi sge, %bitcast_convert_type3A, %ge3A : vector<512x128xi32>
      %jit3A_94 = arith.constant 1 : i32
      %jit3A_95 = arith.constant 0 : i32
      %broadcast_in_dim3A_96 = vector.broadcast %jit3A_94 : i32 to vector<512x128xi32>
      %broadcast_in_dim3A_97 = vector.broadcast %jit3A_95 : i32 to vector<512x128xi32>
      %select_n3A_98 = arith.select %ge3A_93, %broadcast_in_dim3A_96, %broadcast_in_dim3A_97 : vector<512x128xi1>, vector<512x128xi32>
      %reduce_sum3A_99 = vector.shape_cast %select_n3A_98 : vector<512x128xi32> to vector<1x512x128xi32>
      %reduce_sum3A_100 = arith.constant dense<0> : vector<1xi32>
      %reduce_sum3A_101 = vector.multi_reduction <add>, %reduce_sum3A_99, %reduce_sum3A_100 [1, 2] : vector<1x512x128xi32> to vector<1xi32>
      %reduce_sum3A_102 = vector.shape_cast %reduce_sum3A_101 : vector<1xi32> to vector<1x1x1xi32>
      %reduce_sum3A_103 = vector.extract %reduce_sum3A_102[0, 0, 0] : i32 from vector<1x1x1xi32>
      %ge3A_104 = vector.broadcast %or3A : i32 to vector<96x128xi32>
      %ge3A_105 = arith.cmpi sge, %bitcast_convert_type3A_34, %ge3A_104 : vector<96x128xi32>
      %jit3A_106 = arith.constant 1 : i32
      %jit3A_107 = arith.constant 0 : i32
      %broadcast_in_dim3A_108 = vector.broadcast %jit3A_106 : i32 to vector<96x128xi32>
      %broadcast_in_dim3A_109 = vector.broadcast %jit3A_107 : i32 to vector<96x128xi32>
      %select_n3A_110 = arith.select %ge3A_105, %broadcast_in_dim3A_108, %broadcast_in_dim3A_109 : vector<96x128xi1>, vector<96x128xi32>
      %reduce_sum3A_111 = vector.shape_cast %select_n3A_110 : vector<96x128xi32> to vector<1x96x128xi32>
      %reduce_sum3A_112 = arith.constant dense<0> : vector<1xi32>
      %reduce_sum3A_113 = vector.multi_reduction <add>, %reduce_sum3A_111, %reduce_sum3A_112 [1, 2] : vector<1x96x128xi32> to vector<1xi32>
      %reduce_sum3A_114 = vector.shape_cast %reduce_sum3A_113 : vector<1xi32> to vector<1x1x1xi32>
      %reduce_sum3A_115 = vector.extract %reduce_sum3A_114[0, 0, 0] : i32 from vector<1x1x1xi32>
      %add3A_116 = arith.addi %reduce_sum3A_103, %reduce_sum3A_115 : i32
      %ge3A_117 = arith.constant 4096 : i32
      %ge3A_118 = arith.cmpi sge, %add3A_116, %ge3A_117 : i32
      %select_n3A_119 = arith.select %ge3A_118, %or3A, %scan3A_89 : i32
      scf.yield %select_n3A_119 : i32
    }
    %scan3A_40 = arith.constant 31 : i32
    %gt3A = vector.broadcast %scan3A_39 : i32 to vector<512x128xi32>
    %gt3A_41 = arith.cmpi sgt, %bitcast_convert_type3A, %gt3A : vector<512x128xi32>
    %gt3A_42 = vector.broadcast %scan3A_39 : i32 to vector<96x128xi32>
    %gt3A_43 = arith.cmpi sgt, %bitcast_convert_type3A_34, %gt3A_42 : vector<96x128xi32>
    %jit3A_44 = arith.constant 1 : i32
    %jit3A_45 = arith.constant 0 : i32
    %broadcast_in_dim3A_46 = vector.broadcast %jit3A_44 : i32 to vector<512x128xi32>
    %broadcast_in_dim3A_47 = vector.broadcast %jit3A_45 : i32 to vector<512x128xi32>
    %select_n3A_48 = arith.select %gt3A_41, %broadcast_in_dim3A_46, %broadcast_in_dim3A_47 : vector<512x128xi1>, vector<512x128xi32>
    %reduce_sum3A = vector.shape_cast %select_n3A_48 : vector<512x128xi32> to vector<1x512x128xi32>
    %reduce_sum3A_49 = arith.constant dense<0> : vector<1xi32>
    %reduce_sum3A_50 = vector.multi_reduction <add>, %reduce_sum3A, %reduce_sum3A_49 [1, 2] : vector<1x512x128xi32> to vector<1xi32>
    %reduce_sum3A_51 = vector.shape_cast %reduce_sum3A_50 : vector<1xi32> to vector<1x1x1xi32>
    %reduce_sum3A_52 = vector.extract %reduce_sum3A_51[0, 0, 0] : i32 from vector<1x1x1xi32>
    %jit3A_53 = arith.constant 1 : i32
    %jit3A_54 = arith.constant 0 : i32
    %broadcast_in_dim3A_55 = vector.broadcast %jit3A_53 : i32 to vector<96x128xi32>
    %broadcast_in_dim3A_56 = vector.broadcast %jit3A_54 : i32 to vector<96x128xi32>
    %select_n3A_57 = arith.select %gt3A_43, %broadcast_in_dim3A_55, %broadcast_in_dim3A_56 : vector<96x128xi1>, vector<96x128xi32>
    %reduce_sum3A_58 = vector.shape_cast %select_n3A_57 : vector<96x128xi32> to vector<1x96x128xi32>
    %reduce_sum3A_59 = arith.constant dense<0> : vector<1xi32>
    %reduce_sum3A_60 = vector.multi_reduction <add>, %reduce_sum3A_58, %reduce_sum3A_59 [1, 2] : vector<1x96x128xi32> to vector<1xi32>
    %reduce_sum3A_61 = vector.shape_cast %reduce_sum3A_60 : vector<1xi32> to vector<1x1x1xi32>
    %reduce_sum3A_62 = vector.extract %reduce_sum3A_61[0, 0, 0] : i32 from vector<1x1x1xi32>
    %add3A_63 = arith.addi %reduce_sum3A_52, %reduce_sum3A_62 : i32
    %jit3A_64 = arith.constant 0.000000e+00 : f32
    %broadcast_in_dim3A_65 = vector.broadcast %jit3A_64 : f32 to vector<512x128xf32>
    %select_n3A_66 = arith.select %gt3A_41, %select_n3A, %broadcast_in_dim3A_65 : vector<512x128xi1>, vector<512x128xf32>
    %reduce_sum3A_67 = vector.shape_cast %select_n3A_66 : vector<512x128xf32> to vector<1x512x128xf32>
    %reduce_sum3A_68 = arith.constant dense<0.000000e+00> : vector<1xf32>
    %reduce_sum3A_69 = vector.multi_reduction <add>, %reduce_sum3A_67, %reduce_sum3A_68 [1, 2] : vector<1x512x128xf32> to vector<1xf32>
    %reduce_sum3A_70 = vector.shape_cast %reduce_sum3A_69 : vector<1xf32> to vector<1x1x1xf32>
    %reduce_sum3A_71 = vector.extract %reduce_sum3A_70[0, 0, 0] : f32 from vector<1x1x1xf32>
    %jit3A_72 = arith.constant 0.000000e+00 : f32
    %broadcast_in_dim3A_73 = vector.broadcast %jit3A_72 : f32 to vector<96x128xf32>
    %select_n3A_74 = arith.select %gt3A_43, %get3A_33, %broadcast_in_dim3A_73 : vector<96x128xi1>, vector<96x128xf32>
    %reduce_sum3A_75 = vector.shape_cast %select_n3A_74 : vector<96x128xf32> to vector<1x96x128xf32>
    %reduce_sum3A_76 = arith.constant dense<0.000000e+00> : vector<1xf32>
    %reduce_sum3A_77 = vector.multi_reduction <add>, %reduce_sum3A_75, %reduce_sum3A_76 [1, 2] : vector<1x96x128xf32> to vector<1xf32>
    %reduce_sum3A_78 = vector.shape_cast %reduce_sum3A_77 : vector<1xf32> to vector<1x1x1xf32>
    %reduce_sum3A_79 = vector.extract %reduce_sum3A_78[0, 0, 0] : f32 from vector<1x1x1xf32>
    %add3A_80 = arith.addf %reduce_sum3A_71, %reduce_sum3A_79 : f32
    %bitcast_convert_type3A_81 = arith.bitcast %scan3A_39 : i32 to f32
    %sub3A_82 = arith.constant 4096 : i32
    %sub3A_83 = arith.subi %sub3A_82, %add3A_63 : i32
    %convert_element_type3A = arith.sitofp %sub3A_83 : i32 to f32
    %mul3A = arith.mulf %convert_element_type3A, %bitcast_convert_type3A_81 : f32
    %add3A_84 = arith.addf %add3A_80, %mul3A : f32
    %div3A = arith.constant 4.096000e+03 : f32
    %div3A_85 = arith.divf %add3A_84, %div3A : f32
    %swap3A = arith.constant 0 : index
    %swap3A_86 = arith.constant 0 : index
    %swap3A_87 = memref.load %arg4[%swap3A, %swap3A_86] : memref<1x1xf32, #tpu.memory_space<smem>>
    memref.store %div3A_85, %arg4[%swap3A, %swap3A_86] : memref<1x1xf32, #tpu.memory_space<smem>>
    return
  }
  func.func @transform_0(%arg0: i32) -> (i32, i32) {
    %c0_i32 = arith.constant 0 : i32
    %c0_i32_0 = arith.constant 0 : i32
    %c0_i32_1 = arith.constant 0 : i32
    return %c0_i32, %c0_i32_0 : i32, i32
  }
  func.func @transform_1(%arg0: i32) -> (i32, i32) {
    %c0_i32 = arith.constant 0 : i32
    %c0_i32_0 = arith.constant 0 : i32
    %c0_i32_1 = arith.constant 0 : i32
    return %c0_i32, %c0_i32_0 : i32, i32
  }
  func.func @transform_2(%arg0: i32) -> (i32, i32) {
    %c0_i32 = arith.constant 0 : i32
    %c0_i32_0 = arith.constant 0 : i32
    %c0_i32_1 = arith.constant 0 : i32
    return %c0_i32, %c0_i32_0 : i32, i32
  }
  func.func @transform_3(%arg0: i32) -> (i32, i32) {
    %c0_i32 = arith.constant 0 : i32
    %c0_i32_0 = arith.constant 0 : i32
    %c0_i32_1 = arith.constant 0 : i32
    return %c0_i32, %c0_i32_0 : i32, i32
  }
}

module attributes {stable_mosaic.version = 14 : i64} {
  func.func @_tc_main_body(%arg0: i32, %arg1: memref<2048x1000xf32, #tpu.memory_space<vmem>>, %arg2: memref<1x1x2048xi32, #tpu.memory_space<vmem>>, %arg3: memref<1x1x2048xf32, #tpu.memory_space<vmem>>) attributes {dimension_semantics = [#tpu.dimension_semantics<arbitrary>], iteration_bounds = array<i64: 6>, scalar_prefetch = 0 : i64, scratch_operands = 0 : i64, tpu.core_type = #tpu.core_type<tc>, window_params = [{transform_indices = @transform_0, window_bounds = array<i64: 2048, 1000>}, {transform_indices = @transform_1, window_bounds = array<i64: 1, 1, 2048>}, {transform_indices = @transform_2, window_bounds = array<i64: 1, 1, 2048>}]} {
    %get3A = arith.constant 0 : index
    %get3A_0 = arith.constant 0 : index
    %get3A_1 = vector.load %arg1[%get3A, %get3A_0] : memref<2048x1000xf32, #tpu.memory_space<vmem>>, vector<2048x1000xf32>
    %exp3A = math.exp %get3A_1 : vector<2048x1000xf32>
    %reduce_sum3A = arith.constant dense<0.000000e+00> : vector<2048xf32>
    %reduce_sum3A_2 = vector.multi_reduction <add>, %exp3A, %reduce_sum3A [1] : vector<2048x1000xf32> to vector<2048xf32>
    %log3A = math.log %reduce_sum3A_2 : vector<2048xf32>
    %get3A_3 = arith.constant 0 : index
    %get3A_4 = arith.constant 0 : index
    %get3A_5 = arith.constant 0 : index
    %get3A_6 = vector.load %arg2[%get3A_3, %get3A_4, %get3A_5] : memref<1x1x2048xi32, #tpu.memory_space<vmem>>, vector<1x1x2048xi32>
    %get3A_7 = vector.shape_cast %get3A_6 : vector<1x1x2048xi32> to vector<2048xi32>
    %iota3A = tpu.iota {dimensions = array<i32: 1>} : vector<2048x1000xi32>
    %broadcast_in_dim3A = vector.shape_cast %get3A_7 : vector<2048xi32> to vector<2048x1xi32>
    %eq3A = vector.broadcast %broadcast_in_dim3A : vector<2048x1xi32> to vector<2048x1000xi32>
    %eq3A_8 = arith.cmpi eq, %iota3A, %eq3A : vector<2048x1000xi32>
    %jit3A = arith.constant 0.000000e+00 : f32
    %broadcast_in_dim3A_9 = vector.broadcast %jit3A : f32 to vector<2048x1000xf32>
    %select_n3A = arith.select %eq3A_8, %get3A_1, %broadcast_in_dim3A_9 : vector<2048x1000xi1>, vector<2048x1000xf32>
    %reduce_sum3A_10 = arith.constant dense<0.000000e+00> : vector<2048xf32>
    %reduce_sum3A_11 = vector.multi_reduction <add>, %select_n3A, %reduce_sum3A_10 [1] : vector<2048x1000xf32> to vector<2048xf32>
    %eq3A_12 = arith.constant -1 : i32
    %eq3A_13 = vector.broadcast %eq3A_12 : i32 to vector<2048xi32>
    %eq3A_14 = arith.cmpi eq, %get3A_7, %eq3A_13 : vector<2048xi32>
    %sub3A = arith.subf %log3A, %reduce_sum3A_11 : vector<2048xf32>
    %jit3A_15 = arith.constant 0.000000e+00 : f32
    %broadcast_in_dim3A_16 = vector.broadcast %jit3A_15 : f32 to vector<2048xf32>
    %select_n3A_17 = arith.select %eq3A_14, %broadcast_in_dim3A_16, %sub3A : vector<2048xi1>, vector<2048xf32>
    %swap3A = arith.constant 0 : index
    %swap3A_18 = arith.constant 0 : index
    %swap3A_19 = arith.constant 0 : index
    %swap3A_20 = vector.load %arg3[%swap3A, %swap3A_18, %swap3A_19] : memref<1x1x2048xf32, #tpu.memory_space<vmem>>, vector<1x1x2048xf32>
    %swap3A_21 = vector.shape_cast %swap3A_20 : vector<1x1x2048xf32> to vector<2048xf32>
    %swap3A_22 = vector.shape_cast %select_n3A_17 : vector<2048xf32> to vector<1x1x2048xf32>
    tpu.vector_store %arg3[%swap3A, %swap3A_18, %swap3A_19], %swap3A_22 {strides = array<i32>} : memref<1x1x2048xf32, #tpu.memory_space<vmem>>, vector<1x1x2048xf32>,
    return
  }
  func.func @transform_0(%arg0: i32) -> (i32, i32) {
    %add3A = arith.constant 2 : i32
    %add3A_0 = arith.addi %arg0, %add3A : i32
    %c0_i32 = arith.constant 0 : i32
    %c0_i32_1 = arith.constant 0 : i32
    return %add3A_0, %c0_i32 : i32, i32
  }
  func.func @transform_1(%arg0: i32) -> (i32, i32, i32) {
    %add3A = arith.constant 2 : i32
    %add3A_0 = arith.addi %arg0, %add3A : i32
    %c0_i32 = arith.constant 0 : i32
    %c0_i32_1 = arith.constant 0 : i32
    %c0_i32_2 = arith.constant 0 : i32
    return %add3A_0, %c0_i32, %c0_i32_1 : i32, i32, i32
  }
  func.func @transform_2(%arg0: i32) -> (i32, i32, i32) {
    %c0_i32 = arith.constant 0 : i32
    %c0_i32_0 = arith.constant 0 : i32
    %c0_i32_1 = arith.constant 0 : i32
    return %arg0, %c0_i32, %c0_i32_0 : i32, i32, i32
  }
}

</mosaic_0001>

<sc_bundles>
// kernel: kernel.5.cloned.1.call-start
scs
__scs_entry_jumppad:
0x0: {  	(pc) =	sbr.rel $0x88, $3  }
0x1: {  	(tag) =	ssettag $0x0;
	lr =	simm.s32 $0x1  }
0x2: {  	[smem:$0x3F9F] =	sst lr;
	_ =	strace $0xD0000000  }
0x3: {  	_ = 	snop  }
0x4: {  	_ = 	snop  }
0x5: {  	_ = 	snop  }
0x6: {  	_ = 	snop  }
0x7: {  	_ = 	snop  }
__scs_overlays_trampoline_lowered:
0x8: {  	[smem:$0x3FAE] =	sst s0  }
0x9: {  	[smem:$0x3FAF] =	sst s1  }
0xa: {  	[smem:$0x3FB0] =	sst s2  }
0xb: {  	[smem:$0x3FB1] =	sst s3  }
0xc: {  	[smem:$0x3FB2] =	sst s4  }
0xd: {  	[smem:$0x3FB3] =	sst s5  }
0xe: {  	[smem:$0x3FB4] =	sst s6  }
0xf: {  	[smem:$0x3FB5] =	sst s7  }
0x10: {  	[smem:$0x3FB6] =	sst s8  }
0x11: {  	[smem:$0x3FB7] =	sst s9;
	s0 =	simm.s32 @!p0 $0x0  }
0x12: {  	s1 =	sld [smem:$0x3F9D];
	s0 =	simm.s32 @p0 $0x1  }
0x13: {  	[smem:$0x3FB8] =	sst s0;
	s0 =	simm.s32 @!p1 $0x0  }
0x14: {  	s2 =	sld [smem:$0x3F9C];
	s0 =	simm.s32 @p1 $0x1  }
0x15: {  	[smem:$0x3FB9] =	sst s0;
	s0 =	simm.s32 @!p2 $0x0  }
0x16: {  	s3 =	sld [smem:$0x3FDB];
	s0 =	simm.s32 @p2 $0x1  }
0x17: {  	s4 =	simm.s32 $0x1BF5;
	[smem:$0x3FBB] =	sst s0  }
0x18: {  	s0 =	sld [smem:$0x3F9E];
	_ =	swait.ge [sflag:s4], $0x0  }
0x19: {  	s7 =	sld [smem:$0x3F9F]  }
0x1a: {  	s8 =	sadd.s32 $0xFFFFE003, lr  }
0x1b: {  	s9 =	sadd.s32 $0xFFFFFEF7, lr;
	s5 =	simm.s32 $0xFFFFFFFF;
	p2 =	slt.u32 s8, $0xFFFFF086  }
0x1c: {  	p1 =	slt.u32 s9, $0xF7A;
	s5 =	simm.s32 @!p2 $0x0  }
0x1d: {  	s5 =	simm.s32 @p1 $0x1;
	p0 =	seq.s32 s7, s2  }
0x1e: {  	s7 =	smul.u32 @!p0 $0xF7A, s2;
	p2 =	seq.s32 @!p0 s5, $0x0  }
0x1f: {  	s9 =	smul.u32 $0xF7A, s1;
	s8 =	simm.s32 @!p0 $0x1BF5;
	p2 =	por !p2, p0  }
0x20: {  	[sflag:s8] =	ssyncset.s32 @!p0 $0xFFFFF086;
	s6 =	sadd.s32 @!p0 s3, s7;
	s7 =	simm.s32 @!p0 $0x108  }
0x21: {  	s3 =	sadd.s32 s3, s9;
	s6 =	sadd.s32 @!p0 $0x88, s6;
	s7 =	simm.s32 @p2 $0x1082  }
0x22: {  	[simem:s7], [sflag:s8] =	dma.local @!p0 [hbm:s6], $0xF7A  }
0x23: {  	s9 =	sor.u32 $0xD0000000, s2;
	s6 =	simm.s32 $0x108;
	_ =	swait.ge @!p0 [sflag:s8], $0x0  }
0x24: {  	s3 =	sadd.s32 $0x88, s3;
	s6 =	simm.s32 @!p1 $0x1082;
	[sflag:s4] =	ssyncset.s32 $0xFFFFF086  }
0x25: {  	[simem:s6], [sflag:s4] =	dma.local [hbm:s3], $0xF7A  }
0x26: {  	[smem:$0x3F9F] =	sst s1;
	(tag) =	ssettag s2;
	_ =	strace s9  }
0x27: {  	s1 =	sld [smem:$0x3FAF]  }
0x28: {  	s2 =	sld [smem:$0x3FB0]  }
0x29: {  	s4 =	sld [smem:$0x3FB2]  }
0x2a: {  	p0 =	seq.s32 s5, $0x0;
	s5 =	sld [smem:$0x3FB3]  }
0x2b: {  	s6 =	sld [smem:$0x3FB4]  }
0x2c: {  	s7 =	sld [smem:$0x3FB5]  }
0x2d: {  	s3 =	simm.s32 $0x108;
	s8 =	sld [smem:$0x3FB6]  }
0x2e: {  	s3 =	simm.s32 @!p0 $0x1082;
	s9 =	sld [smem:$0x3FB7]  }
0x2f: {  	lr =	sadd.s32 s0, s3;
	s0 =	sld [smem:$0x3FAE]  }
0x30: {  	s3 =	sld [smem:$0x3FB1]  }
0x31: {  	[smem:$0x3FBA] =	sst s10  }
0x32: {  	s10 =	sld [smem:$0x3FB8];
	_ =	sdelay $0x3  }
0x33: {  	p0 =	seq.s32 s10, $0x1;
	s10 =	sld [smem:$0x3FBA];
	_ =	sdelay $0x3  }
0x34: {  	[smem:$0x3FBA] =	sst s10  }
0x35: {  	s10 =	sld [smem:$0x3FB9];
	_ =	sdelay $0x3  }
0x36: {  	p1 =	seq.s32 s10, $0x1;
	s10 =	sld [smem:$0x3FBA];
	_ =	sdelay $0x3  }
0x37: {  	[smem:$0x3FBA] =	sst s10  }
0x38: {  	s10 =	sld [smem:$0x3FBB]  }
0x39: {  	_ = 	snop;
	(pc) =	sbr.ind lr, $3  }
0x3a: {  	_ = 	snop  }
0x3b: {  	_ = 	snop  }
0x3c: {  	p2 =	seq.s32 s10, $0x1;
	s10 =	sld [smem:$0x3FBA]  }
0x3d: {  	_ =	shalt  }
0x3e: {  	_ =	shalt  }
0x3f: {  	_ =	shalt  }
0x40: {  	_ =	shalt  }
0x41: {  	_ =	shalt  }
0x42: {  	_ =	shalt  }
0x43: {  	_ =	shalt  }
0x44: {  	_ =	shalt  }
0x45: {  	_ =	shalt  }
0x46: {  	_ =	shalt  }
0x47: {  	_ =	shalt  }
0x48: {  	_ =	shalt  }
0x49: {  	_ =	shalt  }
0x4a: {  	_ =	shalt  }
0x4b: {  	_ =	shalt  }
0x4c: {  	_ =	shalt  }
0x4d: {  	_ =	shalt  }
0x4e: {  	_ =	shalt  }
0x4f: {  	_ =	shalt  }
0x50: {  	_ =	shalt  }
0x51: {  	_ =	shalt  }
0x52: {  	_ =	shalt  }
0x53: {  	_ =	shalt  }
0x54: {  	_ =	shalt  }
0x55: {  	_ =	shalt  }
0x56: {  	_ =	shalt  }
0x57: {  	_ =	shalt  }
0x58: {  	_ =	shalt  }
0x59: {  	_ =	shalt  }
0x5a: {  	_ =	shalt  }
0x5b: {  	_ =	shalt  }
0x5c: {  	_ =	shalt  }
0x5d: {  	_ =	shalt  }
0x5e: {  	_ =	shalt  }
0x5f: {  	_ =	shalt  }
0x60: {  	_ =	shalt  }
0x61: {  	_ =	shalt  }
0x62: {  	_ =	shalt  }
0x63: {  	_ =	shalt  }
0x64: {  	_ =	shalt  }
0x65: {  	_ =	shalt  }
0x66: {  	_ =	shalt  }
0x67: {  	_ =	shalt  }
0x68: {  	_ =	shalt  }
0x69: {  	_ =	shalt  }
0x6a: {  	_ =	shalt  }
0x6b: {  	_ =	shalt  }
0x6c: {  	_ =	shalt  }
0x6d: {  	_ =	shalt  }
0x6e: {  	_ =	shalt  }
0x6f: {  	_ =	shalt  }
0x70: {  	_ =	shalt  }
0x71: {  	_ =	shalt  }
0x72: {  	_ =	shalt  }
0x73: {  	_ =	shalt  }
0x74: {  	_ =	shalt  }
0x75: {  	_ =	shalt  }
0x76: {  	_ =	shalt  }
0x77: {  	_ =	shalt  }
0x78: {  	_ =	shalt  }
0x79: {  	_ =	shalt  }
0x7a: {  	_ =	shalt  }
0x7b: {  	_ =	shalt  }
0x7c: {  	_ =	shalt  }
0x7d: {  	_ =	shalt  }
0x7e: {  	_ =	shalt  }
0x7f: {  	_ =	shalt  }
0x80: {  	_ =	shalt  }
0x81: {  	_ =	shalt  }
0x82: {  	_ =	shalt  }
0x83: {  	_ =	shalt  }
0x84: {  	_ =	shalt  }
0x85: {  	_ =	shalt  }
0x86: {  	_ =	shalt  }
0x87: {  	_ =	shalt  }
.Lfunc_end0:
.L_simem_size_0:
called_computation_lowered:
.L_overlay_start_0:
0x88: {  	s2 =	sld [smem:$0x3FD9]  }
0x89: {  	s3 =	sld [smem:$0x3FFE];
	_ =	sdelay $0x1  }
0x8a: {  	s1 =	srdreg.scid  }
0x8b: {  	s0 =	sand.u32 $0x1, s1  }
0x8c: {  	s17 =	sshll.u32 s0, $0xA;
	s2 =	sadd.s32 s3, s2  }
0x8d: {  	s2 =	sadd.s32 s2, s17  }
0x8e: {  	[smem:$0x3FC6] =	sst s2  }
0x8f: {  	_ = 	snop  }
0x90: {  	s2 =	sld [smem:$0x3FC8];
	(tm) =	ssettm $0x1  }
0x91: {  	s18 =	sld [smem:$0x3FFB];
	_ =	sdelay $0x3  }
0x92: {  	_ =	strace s18  }
0x93: {  	s3 =	sld [smem:$0x3FFC];
	_ =	sdelay $0x3  }
0x94: {  	_ =	strace s3  }
0x95: {  	s3 =	sld [smem:$0x3FFD];
	_ =	sdelay $0x3  }
0x96: {  	_ =	strace s3  }
0x97: {  	_ =	strace $0x8FFFFFFF  }
0x98: {  	s19 =	sld [smem:$0x3FDB];
	_ =	sdelay $0x1  }
0x99: {  	s4 =	simm.s32 $_scs_section_size  }
0x9a: {  	s5 =	simm.s32 $_size__tile_overlayer_lowered;
	s6 =	simm.s32 $_tile_overlayer_lowered  }
0x9b: {  	s22 =	simm.s32 $0x1BFF;
	s21 =	sshll.u32 s6, $0x1;
	s3 =	sadd.s32 s4, s19  }
0x9c: {  	s7 =	simm.s32 $0x0;
	s20 =	sshll.u32 s5, $0x1;
	s5 =	sadd.s32 s21, s3  }
0x9d: {  	[timem:s7], [sflag:s22] =	dma.local [hbm:s5], s20  }
0x9e: {  	_ =	swait.ge [sflag:s22], s20  }
0x9f: {  	s4 =	ssub.s32 $0x0, s20;
	[sflag:s22] =	ssyncset.done $0x0  }
0xa0: {  	[sflag:s22] =	ssyncadd.s32 s4;
	_ =	sdelay $0x1  }
0xa1: {  	s23 =	simm.s32 $0x1B8B  }
0xa2: {  	_ =	swait.ge [sflag:s23], $0x1  }
0xa3: {  	[sflag:s23] =	ssyncset.done $0x0  }
0xa4: {  	s25 =	simm.s32 $0x1B8E;
	s24 =	sld [smem:$0x3FFE];
	[sflag:s23] =	ssyncadd.s32 $0xFFFFFFFF  }
0xa5: {  	s26 =	simm.s32 $execute0_lowered;
	[smem:$0x3FD2] =	sst s25  }
0xa6: {  	s5 =	sshll.u32 s26, $0x1;
	_ =	strace $0x80000046;
	[dreg:$0x1] =	wrdreg $0xFFFFFFFF  }
0xa7: {  	s28 =	simm.s32 $_size_execute0_lowered;
	s3 =	sadd.s32 s3, s5;
	[dreg:$0x0] =	wrdreg $0x0  }
0xa8: {  	s5 =	sshll.u32 s28, $0x1;
	[dreg:$0x2] =	wrdreg s3  }
0xa9: {  	[dreg:$0x3] =	wrdreg s5  }
0xaa: {  	[dreg:$0x4] =	wrdreg $0xC0  }
0xab: {  	_ =	task [dreg:s7], $0x5FFFF  }
0xac: {  	[dreg:$0x1] =	wrdreg $0xFFFFFFFF  }
0xad: {  	[dreg:$0x0] =	wrdreg $0x60  }
0xae: {  	[dreg:$0x2] =	wrdreg s24  }
0xaf: {  	[dreg:$0x3] =	wrdreg s2  }
0xb0: {  	[dreg:$0x4] =	wrdreg $0x9  }
0xb1: {  	_ =	task.clear_ibuf [dreg:s7], $0x5FFFF;
	_ =	strace $0x90000046  }
0xb2: {  	s29 =	simm.s32 $0x9;
	_ =	strace $0x80000048  }
0xb3: {  	_ =	swait.ge [sflag:s29], $0x1  }
0xb4: {  	[sflag:s29] =	ssyncadd.s32 $0xFFFFFFFF  }
0xb5: {  	_ =	strace $0x90000048  }
0xb6: {  	_ =	sfence  }
0xb7: {  	s30 =	sld [smem:$0x0];
	_ =	sdelay $0x2  }
0xb8: {  	s31 =	sshll.u32 s1, $0xD;
	s1 =	sshrl.u32 s1, $0x2  }
0xb9: {  	s3 =	sand.u32 $0x4000, s31;
	s1 =	sadd.s32 s1, s30  }
0xba: {  	s0 =	sor.u32 s3, s0;
	s1 =	sshll.u32 s1, $0x11  }
0xbb: {  	s0 =	sor.u32 s1, s0  }
0xbc: {  	s0 =	sadd.s32 $0x8F2B, s0  }
0xbd: {  	[sflag:s0] =	ssyncadd.remote.s32 $0x1  }
0xbe: {  	_ =	sfence.sel $0xFFFF  }
0xbf: {  	[dreg:$0x0] =	wrdreg $0xFFFFFFFF;
	(pc) =	sbr.abs _section_cstart, $3  }
0xc0: {  	[dreg:$0x1] =	wrdreg $0xFFFFFFFF  }
0xc1: {  	_ =	task.clear_ibuf [dreg:s7], $0x2FFFF;
	_ =	strace $0x9FFFFFFF  }
0xc2: {  	(tm) =	ssettm $0x7FFFFFFF  }
0xc3: {  	_ =	shalt  }
tec
execute0_lowered:
.L_overlay_start_1:
0x0: {  	(tag) =	ssettag $0x1  }
0x1: {  	s3 =	rddreg [dreg:$0x0]  }
0x2: {  	v13 =	vlaneseq.u32;
	s4 =	rddreg [dreg:$0x1];
	s2 =	simm.s32 $0x0  }
0x3: {  	s1 =	srdreg.scid;
	[smem:$0x7FF] =	sst s2;
	v63 =	vor.u32 $0x310, v13  }
0x4: {  	s5 =	sand.u32 $0x1, s1;
	s1 =	rddreg [dreg:$0x2];
	v61 =	vor.u32 $0x320, v13;
	_ =	strace $0x80000047;
	[tilespmem:$0x1FEA0] =	vst v63  }
0x5: {  	v17 =	vor.u32 $0x330, v13;
	[tilespmem:$0x1FEB0] =	vst v61  }
0x6: {  	v28 =	vor.u32 $0x10, v13;
	v12 =	vor.u32 $0x20, v13;
	v16 =	vor.u32 $0x340, v13;
	[tilespmem:$0x1FEC0] =	vst v17  }
0x7: {  	v18 =	vor.u32 $0x30, v13;
	v27 =	vor.u32 $0x40, v13;
	v15 =	vor.u32 $0x350, v13;
	[tilespmem:$0x1FED0] =	vst v16  }
0x8: {  	v62 =	vor.u32 $0x50, v13;
	v9 =	vor.u32 $0x60, v13;
	v2 =	vor.u32 $0x360, v13;
	[tilespmem:$0x1FEE0] =	vst v15  }
0x9: {  	v19 =	vor.u32 $0x70, v13;
	v20 =	vor.u32 $0x80, v13;
	v14 =	vor.u32 $0x370, v13;
	[tilespmem:$0x1FEF0] =	vst v2  }
0xa: {  	v21 =	vor.u32 $0x90, v13;
	v22 =	vor.u32 $0xA0, v13;
	v7 =	vor.u32 $0x380, v13;
	[tilespmem:$0x1FF00] =	vst v14  }
0xb: {  	v23 =	vor.u32 $0xB0, v13;
	v24 =	vor.u32 $0xC0, v13;
	v8 =	vor.u32 $0x390, v13;
	[tilespmem:$0x1FF10] =	vst v7  }
0xc: {  	v25 =	vor.u32 $0xD0, v13;
	v26 =	vor.u32 $0xE0, v13;
	v6 =	vor.u32 $0x3A0, v13;
	[tilespmem:$0x1FF20] =	vst v8  }
0xd: {  	v1 =	vor.u32 $0xF0, v13;
	v11 =	vor.u32 $0x100, v13;
	v4 =	vor.u32 $0x3B0, v13;
	[tilespmem:$0x1FF30] =	vst v6  }
0xe: {  	v3 =	vor.u32 $0x110, v13;
	v30 =	vor.u32 $0x120, v13;
	v5 =	vor.u32 $0x3C0, v13;
	[tilespmem:$0x1FF40] =	vst v4  }
0xf: {  	v31 =	vor.u32 $0x130, v13;
	v32 =	vor.u32 $0x140, v13;
	v10 =	vor.u32 $0x3D0, v13;
	[tilespmem:$0x1FF50] =	vst v5  }
0x10: {  	v33 =	vor.u32 $0x150, v13;
	v34 =	vor.u32 $0x160, v13;
	v35 =	vor.u32 $0x170, v13;
	[tilespmem:$0x1FF60] =	vst v10  }
0x11: {  	v36 =	vor.u32 $0x180, v13;
	v37 =	vor.u32 $0x190, v13;
	v38 =	vor.u32 $0x1A0, v13;
	[tilespmem:$0x1FF70] =	vst v28  }
0x12: {  	s0 =	stileid.u32;
	s10 =	simm.s32 $0x8000;
	s11 =	simm.s32 $0x3;
	v39 =	vor.u32 $0x1B0, v13;
	v40 =	vor.u32 $0x1C0, v13;
	v41 =	vor.u32 $0x1D0, v13;
	[tilespmem:$0x1FF80] =	vst v12  }
0x13: {  	s12 =	simm.s32 $0x4000;
	s13 =	simm.s32 $0x8080;
	v42 =	vor.u32 $0x1E0, v13;
	v43 =	vor.u32 $0x1F0, v13;
	s6 =	sshll.u32 s0, $0x1;
	v44 =	vor.u32 $0x200, v13;
	[tilespmem:$0x1FF90] =	vst v18  }
0x14: {  	s14 =	simm.s32 $0x8880;
	s15 =	simm.s32 $0x0;
	v45 =	vor.u32 $0x210, v13;
	v46 =	vor.u32 $0x220, v13;
	v47 =	vor.u32 $0x230, v13;
	s6 =	sor.u32 s5, s6;
	[tilespmem:$0x1FFA0] =	vst v27  }
0x15: {  	v48 =	vor.u32 $0x240, v13;
	v49 =	vor.u32 $0x250, v13;
	v50 =	vor.u32 $0x260, v13;
	s5 =	ssub.s32 $0x2, s5;
	[tilespmem:$0x1FFB0] =	vst v62;
	s7 =	sshll.u32 s6, $0xE;
	s8 =	sshll.u32 s6, $0x8  }
0x16: {  	v51 =	vor.u32 $0x270, v13;
	v52 =	vor.u32 $0x280, v13;
	v53 =	vor.u32 $0x290, v13;
	[tilespmem:$0x1FFC0] =	vst v26;
	s9 =	sshrl.u32 s5, $0x1;
	s6 =	sshll.u32 s6, $0x4;
	s7 =	sadd.s32 s7, s3  }
0x17: {  	v54 =	vor.u32 $0x2A0, v13;
	v55 =	vor.u32 $0x2B0, v13;
	v57 =	vor.u32 $0x2D0, v13;
	[tilespmem:$0x1FFD0] =	vst v9;
	s8 =	sadd.s32 s8, s3;
	s9 =	ssub.s32 s5, s9;
	s3 =	sadd.s32 s4, s6  }
0x18: {  	v56 =	vor.u32 $0x2C0, v13;
	v58 =	vor.u32 $0x2E0, v13;
	[tilespmem:$0x1FFE0] =	vst v57;
	s4 =	sadd.s32 $0xE00, s7;
	s5 =	sadd.s32 $0x1600, s7;
	s6 =	sadd.s32 $0x200E00, s8  }
0x19: {  	v59 =	vor.u32 $0x2F0, v13;
	v60 =	vor.u32 $0x300, v13;
	[tilespmem:$0x1FFF0] =	vst v58;
	s7 =	sadd.s32 $0x1E00, s7;
	s8 =	sadd.s32 $0x202E00, s8;
	s9 =	smax.u32 s9, $0x1  }
.LBB2_1:
0x1a: {  	[tilespmem:s10], [sflag:$0x3] =	stream.linear.gather [hbm4b:s3+s2], $0x80, $0x38;
	[tilespmem:$0x9080] =	vst v63  }
0x1b: {  	_ =	swait.ge [sflag:s11], $0x80  }
0x1c: {  	[sflag:s11] =	ssyncset.done $0x0  }
0x1d: {  	p0 =	por $0x0, $0x0;
	[sflag:s11] =	ssyncadd.s32 $0xFFFFFF80  }
0x1e: {  	[tilespmem:s2], [sflag:$0x1] =	stream.linear.gather [hbm4b:s4+s2], $0x4000, $0x38;
	[tilespmem:$0x9080] =	vst v63  }
0x1f: {  	s16 =	simm.s32 $0x8880;
	s17 =	simm.s32 $0x8080;
	s18 =	simm.s32 $0x0  }
0x20: {  	v0 =	vmov v11;
	v29 =	vmov v3;
	[tilespmem:s12], [sflag:$0x2] =	stream.linear.gather [hbm4b:s5+s2], $0x4000, $0x38;
	[tilespmem:$0x9080] =	vst v63  }
.LBB2_2:
0x21: {  	s21 =	simm.s32 $0x1;
	s19 =	sand.u32 $0x1, s18  }
0x22: {  	s21 =	simm.s32 @!p0 $0x0;
	s20 =	sadd.s32 $0x1, s19  }
0x23: {  	s23 =	sshll.u32 s21, $0xE;
	_ =	swait.ge [sflag:s20], $0x4000;
	s21 =	simm.s32 $0x0  }
0x24: {  	[sflag:s20] =	ssyncset.done $0x0;
	s22 =	sand.u32 $0x6000, s23;
	s24 =	sand.u32 $0x380, s21  }
0x25: {  	[sflag:s20] =	ssyncadd.s32 $0xFFFFC000;
	s24 =	sor.u32 s24, s22  }
0x26: {  	v14 =	vld [tilespmem:s24+$0x0]  }
0x27: {  	v57 =	vld [tilespmem:s24+$0x10]  }
0x28: {  	v2 =	vld [tilespmem:s24+$0x20];
	_ =	sdelay $0x1  }
0x29: {  	v16 =	vld [tilespmem:s24+$0x40]  }
0x2a: {  	v11 =	vmovc v26;
	v26 =	vmovc v25;
	v25 =	vmov v24;
	v24 =	vmov v23;
	v58 =	vmul.f32 $1.442695020e+00, v14  }
0x2b: {  	v23 =	vmovc v22;
	v22 =	vmovc v21;
	v21 =	vmov v20;
	v20 =	vmov v19;
	v17 =	vld [tilespmem:s24+$0x70];
	v19 =	vmul.f32 $1.442695020e+00, v57  }
0x2c: {  	v15 =	vld [tilespmem:s24+$0x30];
	(erf) = vpow2.f32 v58;
	v58 =	vmul.f32 $1.442695020e+00, v2  }
0x2d: {  	s22 =	sshll.u32 s18, $0x4;
	v61 =	vld [tilespmem:s24+$0x50];
	(erf) = vpow2.f32 v19  }
0x2e: {  	v3 =	vmovc v9;
	v9 =	vmov v62;
	v62 =	vld [tilespmem:s22+$0x8000];
	(erf) = vpow2.f32 v58;
	v58 =	vmul.f32 $1.442695020e+00, v16;
	_ =	sdelay $0x1  }
0x2f: {  	v19 =	vld [tilespmem:s24+$0x60];
	[tilespmem:$0x1FCF0] =	vst v58;
	v58 =	vmul.f32 $1.442695020e+00, v17;
	_ =	sdelay $0x1  }
0x30: {  	v63 =	vmul.f32 $1.442695020e+00, v15;
	[tilespmem:$0x1FD60] =	vst v58;
	v58 =	vmul.f32 $1.442695020e+00, v61  }
0x31: {  	vm0 =	vgt.s32 v62, $0x0;
	v14 =	vadd.f32 $0.0e+00, v14  }
0x32: {  	v62 =	vnsel vm0, $0x0, v62;
	(erf) = vpow2.f32 v63;
	v63 =	vmov s21;
	[tilespmem:$0x1FD00] =	vst v58;
	v58 =	vld [tilespmem:$0x1FCF0]  }
0x33: {  	[tilespmem:$0x1FD20] =	vst v14;
	v62 =	vperm.xlane v62, v63;
	v63 =	vmul.f32 $1.442695020e+00, v19;
	v14 =	vld [tilespmem:$0x1FD00];
	_ =	sdelay $0x3  }
0x34: {  	[tilespmem:$0x1FD10] =	vst v63;
	v63 =	vpop (erf);
	(erf) = vpow2.f32 v58  }
0x35: {  	(erf) = vpow2.f32 v14;
	v14 =	vpop (erf)  }
0x36: {  	[tilespmem:$0x1FD30] =	vst v14;
	v14 =	vld [tilespmem:$0x1FD10];
	_ =	sdelay $0x4  }
0x37: {  	(erf) = vpow2.f32 v14;
	v14 =	vld [tilespmem:$0x1FD20];
	_ =	sdelay $0x3  }
0x38: {  	vm15 =	veq.s32 v62, v13  }
0x39: {  	v14 =	vnsel vm15, $0x0, v14  }
0x3a: {  	[tilespmem:$0x1FD40] =	vst v14;
	v14 =	vld [tilespmem:$0x1FD30];
	_ =	sdelay $0x2  }
0x3b: {  	v63 =	vadd.f32 $0.0e+00, v63;
	_ =	sdelay $0x1  }
0x3c: {  	v14 =	vadd.f32 v14, v63;
	_ =	sdelay $0x1  }
0x3d: {  	[tilespmem:$0x1FD50] =	vst v14  }
0x3e: {  	vm4 =	veq.s32 v62, v12;
	v12 =	vld [tilespmem:$0x1FD50]  }
0x3f: {  	v14 =	vld [tilespmem:$0x1FD40];
	_ =	sdelay $0x2  }
0x40: {  	vm1 =	veq.s32 v62, v28;
	v63 =	vpop (erf)  }
0x41: {  	v57 =	vnsel vm1, $0x0, v57;
	v12 =	vadd.f32 v63, v12  }
0x42: {  	v58 =	vld [tilespmem:s24+$0x400];
	v14 =	vadd.f32 v57, v14  }
0x43: {  	v63 =	vnsel vm4, $0x0, v2;
	v2 =	vpop (erf);
	[tilespmem:$0x1FD70] =	vst v12;
	v12 =	vld [tilespmem:$0x1FD60]  }
0x44: {  	[tilespmem:$0x1FD80] =	vst v2;
	v63 =	vadd.f32 v63, v14  }
0x45: {  	v14 =	vld [tilespmem:$0x1FD80]  }
0x46: {  	[tilespmem:$0x1FDA0] =	vst v63;
	v63 =	vld [tilespmem:$0x1FD70];
	_ =	sdelay $0x1  }
0x47: {  	(erf) = vpow2.f32 v12;
	v12 =	vmul.f32 $1.442695020e+00, v58;
	_ =	sdelay $0x1  }
0x48: {  	[tilespmem:$0x1FD90] =	vst v12  }
0x49: {  	vm5 =	veq.s32 v62, v18;
	v18 =	vadd.f32 v14, v63;
	v14 =	vld [tilespmem:$0x1FD90];
	_ =	sdelay $0x3  }
0x4a: {  	v28 =	vld [tilespmem:s24+$0x410]  }
0x4b: {  	(erf) = vpow2.f32 v14;
	v14 =	vpop (erf)  }
0x4c: {  	[tilespmem:$0x1FDB0] =	vst v14;
	v14 =	vld [tilespmem:$0x1FDA0];
	_ =	sdelay $0x2  }
0x4d: {  	v2 =	vmul.f32 $1.442695020e+00, v28  }
0x4e: {  	v63 =	vnsel vm5, $0x0, v15  }
0x4f: {  	v14 =	vadd.f32 v63, v14;
	_ =	sdelay $0x1  }
0x50: {  	(erf) = vpow2.f32 v2;
	v2 =	vpop (erf);
	[tilespmem:$0x1FDC0] =	vst v14  }
0x51: {  	[tilespmem:$0x1FDD0] =	vst v2;
	v2 =	vld [tilespmem:$0x1FDC0];
	_ =	sdelay $0x1  }
0x52: {  	v57 =	vld [tilespmem:s24+$0x420]  }
0x53: {  	vm6 =	veq.s32 v62, v27;
	v14 =	vld [tilespmem:$0x1FDB0]  }
0x54: {  	v63 =	vnsel vm6, $0x0, v16  }
0x55: {  	v2 =	vadd.f32 v63, v2  }
0x56: {  	vm7 =	veq.s32 v62, v9;
	v9 =	vld [tilespmem:$0x1FDD0]  }
0x57: {  	v12 =	vld [tilespmem:s24+$0x430];
	[tilespmem:$0x1FDE0] =	vst v2  }
0x58: {  	v18 =	vadd.f32 v14, v18;
	v14 =	vmul.f32 $1.442695020e+00, v57;
	v63 =	vnsel vm7, $0x0, v61;
	v61 =	vld [tilespmem:$0x1FDE0]  }
0x59: {  	v15 =	vld [tilespmem:s24+$0x440];
	_ =	sdelay $0x1  }
0x5a: {  	v16 =	vld [tilespmem:s24+$0x450];
	v18 =	vadd.f32 v9, v18  }
0x5b: {  	vm8 =	veq.s32 v62, v3;
	(erf) = vpow2.f32 v14;
	v14 =	vpop (erf)  }
0x5c: {  	v2 =	vmul.f32 $1.442695020e+00, v12;
	v14 =	vadd.f32 v14, v18;
	v18 =	vld [tilespmem:s24+$0x460];
	v9 =	vadd.f32 v63, v61  }
0x5d: {  	vm9 =	veq.s32 v62, v20;
	v3 =	vmul.f32 $1.442695020e+00, v15;
	v63 =	vnsel vm8, $0x0, v19  }
0x5e: {  	(erf) = vpow2.f32 v2;
	v61 =	vpop (erf);
	v9 =	vadd.f32 v63, v9;
	v63 =	vnsel vm9, $0x0, v17  }
0x5f: {  	v2 =	vadd.f32 v61, v14;
	v14 =	vmul.f32 $1.442695020e+00, v16  }
0x60: {  	vm10 =	veq.s32 v62, v21;
	(erf) = vpow2.f32 v3;
	v61 =	vld [tilespmem:s24+$0x470];
	v9 =	vadd.f32 v63, v9  }
0x61: {  	v58 =	vnsel vm10, $0x0, v58;
	v3 =	vld [tilespmem:s24+$0x800];
	v63 =	vpop (erf);
	(erf) = vpow2.f32 v14;
	v14 =	vmul.f32 $1.442695020e+00, v18  }
0x62: {  	v2 =	vadd.f32 v63, v2;
	v17 =	vadd.f32 v58, v9;
	v9 =	vld [tilespmem:s24+$0x810]  }
0x63: {  	vm11 =	veq.s32 v62, v22;
	vm12 =	veq.s32 v62, v23;
	v19 =	vpop (erf)  }
0x64: {  	vm13 =	veq.s32 v62, v24;
	v58 =	vnsel vm11, $0x0, v28;
	v19 =	vadd.f32 v19, v2  }
0x65: {  	(erf) = vpow2.f32 v14;
	v2 =	vmul.f32 $1.442695020e+00, v61;
	v28 =	vadd.f32 v58, v17;
	v14 =	vpop (erf)  }
0x66: {  	v63 =	vnsel vm12, $0x0, v57;
	v19 =	vadd.f32 v14, v19;
	v14 =	vmul.f32 $1.442695020e+00, v3  }
0x67: {  	v17 =	vld [tilespmem:s24+$0x820];
	(erf) = vpow2.f32 v2;
	v58 =	vpop (erf);
	v57 =	vadd.f32 v63, v28;
	v28 =	vmul.f32 $1.442695020e+00, v9  }
0x68: {  	v19 =	vadd.f32 v58, v19;
	v58 =	vnsel vm13, $0x0, v12  }
0x69: {  	vm14 =	veq.s32 v62, v25;
	v2 =	vld [tilespmem:s24+$0x830];
	(erf) = vpow2.f32 v14;
	v12 =	vpop (erf);
	v14 =	vadd.f32 v58, v57  }
0x6a: {  	vm15 =	veq.s32 v62, v26;
	v58 =	vnsel vm14, $0x0, v15;
	v57 =	vadd.f32 v12, v19;
	v19 =	vld [tilespmem:s24+$0x840]  }
0x6b: {  	(erf) = vpow2.f32 v28;
	v28 =	vpop (erf);
	v15 =	vadd.f32 v58, v14;
	v58 =	vnsel vm15, $0x0, v16  }
0x6c: {  	v12 =	vmul.f32 $1.442695020e+00, v17;
	v14 =	vadd.f32 v28, v57;
	v28 =	vld [tilespmem:s24+$0x850];
	_ =	sdelay $0x1  }
0x6d: {  	v57 =	vmul.f32 $1.442695020e+00, v2;
	(erf) = vpow2.f32 v12;
	v15 =	vadd.f32 v58, v15;
	v58 =	vpop (erf)  }
0x6e: {  	vm4 =	veq.s32 v62, v11;
	v14 =	vadd.f32 v58, v14;
	v16 =	vmul.f32 $1.442695020e+00, v19  }
0x6f: {  	v11 =	vld [tilespmem:s24+$0x870];
	vm5 =	veq.s32 v62, v1;
	(erf) = vpow2.f32 v57;
	v57 =	vnsel vm4, $0x0, v18;
	v18 =	vpop (erf)  }
0x70: {  	v12 =	vld [tilespmem:s24+$0x860];
	v15 =	vadd.f32 v57, v15;
	v18 =	vadd.f32 v18, v14;
	v14 =	vmul.f32 $1.442695020e+00, v28  }
0x71: {  	v58 =	vnsel vm5, $0x0, v61  }
0x72: {  	vm6 =	veq.s32 v62, v0;
	(erf) = vpow2.f32 v16;
	v57 =	vadd.f32 v58, v15;
	v16 =	vpop (erf)  }
0x73: {  	v3 =	vnsel vm6, $0x0, v3;
	v18 =	vadd.f32 v16, v18  }
0x74: {  	vm7 =	veq.s32 v62, v29;
	v15 =	vld [tilespmem:s24+$0xC00];
	(erf) = vpow2.f32 v14;
	v57 =	vadd.f32 v3, v57;
	v14 =	vpop (erf)  }
0x75: {  	v16 =	vmul.f32 $1.442695020e+00, v12;
	v18 =	vadd.f32 v14, v18;
	v14 =	vmul.f32 $1.442695020e+00, v11  }
0x76: {  	v58 =	vnsel vm7, $0x0, v9;
	v61 =	vpop (erf)  }
0x77: {  	(erf) = vpow2.f32 v16;
	v16 =	vadd.f32 v58, v57;
	v57 =	vadd.f32 v61, v18  }
0x78: {  	vm8 =	veq.s32 v62, v30;
	v3 =	vld [tilespmem:s24+$0xC10]  }
0x79: {  	v9 =	vmul.f32 $1.442695020e+00, v15;
	v58 =	vnsel vm8, $0x0, v17;
	(erf) = vpow2.f32 v14;
	v61 =	vld [tilespmem:s24+$0xC30];
	v14 =	vpop (erf)  }
0x7a: {  	vm9 =	veq.s32 v62, v31;
	v18 =	vld [tilespmem:s24+$0xC20];
	v17 =	vadd.f32 v58, v16;
	v14 =	vadd.f32 v14, v57  }
0x7b: {  	v2 =	vnsel vm9, $0x0, v2;
	(erf) = vpow2.f32 v9;
	v57 =	vpop (erf)  }
0x7c: {  	vm10 =	veq.s32 v62, v32;
	v9 =	vadd.f32 v2, v17;
	v14 =	vadd.f32 v57, v14  }
0x7d: {  	vm11 =	veq.s32 v62, v33;
	v16 =	vmul.f32 $1.442695020e+00, v3;
	v58 =	vnsel vm10, $0x0, v19;
	v19 =	vpop (erf)  }
0x7e: {  	v2 =	vld [tilespmem:s24+$0xC40];
	v17 =	vadd.f32 v58, v9;
	v19 =	vadd.f32 v19, v14;
	v14 =	vmul.f32 $1.442695020e+00, v61  }
0x7f: {  	v63 =	vnsel vm11, $0x0, v28;
	(erf) = vpow2.f32 v16;
	v9 =	vld [tilespmem:s24+$0xC50];
	v16 =	vmul.f32 $1.442695020e+00, v18  }
0x80: {  	vm12 =	veq.s32 v62, v34;
	v28 =	vadd.f32 v63, v17;
	v57 =	vpop (erf)  }
0x81: {  	(erf) = vpow2.f32 v16;
	v19 =	vadd.f32 v57, v19;
	v57 =	vnsel vm12, $0x0, v12  }
0x82: {  	vm13 =	veq.s32 v62, v35;
	(erf) = vpow2.f32 v14;
	v28 =	vadd.f32 v57, v28;
	v14 =	vpop (erf)  }
0x83: {  	vm14 =	veq.s32 v62, v36;
	v63 =	vnsel vm13, $0x0, v11;
	v16 =	vld [tilespmem:s24+$0xC60];
	v57 =	vadd.f32 v14, v19  }
0x84: {  	v17 =	vmul.f32 $1.442695020e+00, v2;
	v14 =	vmul.f32 $1.442695020e+00, v9;
	v58 =	vpop (erf);
	v19 =	vadd.f32 v63, v28  }
0x85: {  	v12 =	vld [tilespmem:s24+$0xC70];
	v28 =	vadd.f32 v58, v57;
	v58 =	vnsel vm14, $0x0, v15  }
0x86: {  	(erf) = vpow2.f32 v17;
	v57 =	vadd.f32 v58, v19  }
0x87: {  	v17 =	vld [tilespmem:s24+$0x1000]  }
0x88: {  	vm15 =	veq.s32 v62, v37;
	v11 =	vmul.f32 $1.442695020e+00, v16;
	(erf) = vpow2.f32 v14;
	v19 =	vld [tilespmem:s24+$0x1010];
	v14 =	vpop (erf)  }
0x89: {  	v3 =	vnsel vm15, $0x0, v3;
	v14 =	vadd.f32 v14, v28  }
0x8a: {  	v15 =	vmul.f32 $1.442695020e+00, v12;
	(erf) = vpow2.f32 v11;
	v11 =	vadd.f32 v3, v57;
	v57 =	vpop (erf)  }
0x8b: {  	vm4 =	veq.s32 v62, v38;
	vm5 =	veq.s32 v62, v39;
	v14 =	vadd.f32 v57, v14  }
0x8c: {  	v58 =	vnsel vm4, $0x0, v18;
	v3 =	vld [tilespmem:s24+$0x1020];
	(erf) = vpow2.f32 v15;
	v15 =	vmul.f32 $1.442695020e+00, v17;
	v28 =	vpop (erf)  }
0x8d: {  	v18 =	vadd.f32 v58, v11;
	v11 =	vld [tilespmem:s24+$0x1030];
	v28 =	vadd.f32 v28, v14;
	v14 =	vmul.f32 $1.442695020e+00, v19  }
0x8e: {  	vm6 =	veq.s32 v62, v40;
	v63 =	vnsel vm5, $0x0, v61  }
0x8f: {  	vm9 =	veq.s32 v62, v43;
	(erf) = vpow2.f32 v15;
	v61 =	vpop (erf);
	v57 =	vadd.f32 v63, v18;
	v15 =	vld [tilespmem:s24+$0x1040]  }
0x90: {  	vm7 =	veq.s32 v62, v41;
	v58 =	vnsel vm6, $0x0, v2;
	v28 =	vadd.f32 v61, v28  }
0x91: {  	v18 =	vmul.f32 $1.442695020e+00, v3;
	v57 =	vadd.f32 v58, v57;
	(erf) = vpow2.f32 v14;
	v14 =	vpop (erf)  }
0x92: {  	v63 =	vnsel vm7, $0x0, v9;
	v58 =	vadd.f32 v14, v28;
	v14 =	vmul.f32 $1.442695020e+00, v11  }
0x93: {  	vm8 =	veq.s32 v62, v42;
	v2 =	vld [tilespmem:s24+$0x1050];
	(erf) = vpow2.f32 v18;
	v61 =	vpop (erf);
	v28 =	vadd.f32 v63, v57  }
0x94: {  	v18 =	vmul.f32 $1.442695020e+00, v15;
	v57 =	vadd.f32 v61, v58;
	v58 =	vnsel vm8, $0x0, v16  }
0x95: {  	v9 =	vld [tilespmem:s24+$0x1060];
	(erf) = vpow2.f32 v14;
	v16 =	vadd.f32 v58, v28;
	v58 =	vnsel vm9, $0x0, v12  }
0x96: {  	v14 =	vpop (erf)  }
0x97: {  	v28 =	vld [tilespmem:s24+$0x1070];
	(erf) = vpow2.f32 v18;
	v14 =	vadd.f32 v14, v57  }
0x98: {  	vm10 =	veq.s32 v62, v44;
	v57 =	vmul.f32 $1.442695020e+00, v2;
	v16 =	vadd.f32 v58, v16;
	v58 =	vpop (erf)  }
0x99: {  	vm11 =	veq.s32 v62, v45;
	v63 =	vnsel vm10, $0x0, v17;
	v14 =	vadd.f32 v58, v14  }
0x9a: {  	v12 =	vld [tilespmem:s24+$0x1400];
	v18 =	vmul.f32 $1.442695020e+00, v9;
	(erf) = vpow2.f32 v57;
	v61 =	vpop (erf);
	v17 =	vadd.f32 v63, v16  }
0x9b: {  	vm12 =	veq.s32 v62, v46;
	v16 =	vld [tilespmem:s24+$0x1410];
	v58 =	vnsel vm11, $0x0, v19;
	v57 =	vadd.f32 v61, v14  }
0x9c: {  	(erf) = vpow2.f32 v18;
	v19 =	vpop (erf);
	v14 =	vmul.f32 $1.442695020e+00, v28;
	v18 =	vadd.f32 v58, v17  }
0x9d: {  	v17 =	vld [tilespmem:s24+$0x1420];
	v58 =	vnsel vm12, $0x0, v3;
	v57 =	vadd.f32 v19, v57  }
0x9e: {  	(erf) = vpow2.f32 v14;
	v61 =	vpop (erf);
	v14 =	vadd.f32 v58, v18;
	v18 =	vld [tilespmem:s24+$0x1430]  }
0x9f: {  	vm13 =	veq.s32 v62, v47;
	v19 =	vmul.f32 $1.442695020e+00, v12;
	v57 =	vadd.f32 v61, v57  }
0xa0: {  	vm14 =	veq.s32 v62, v48;
	v58 =	vnsel vm13, $0x0, v11;
	v3 =	vmul.f32 $1.442695020e+00, v16;
	v61 =	vpop (erf)  }
0xa1: {  	(erf) = vpow2.f32 v19;
	v14 =	vadd.f32 v58, v14;
	v57 =	vadd.f32 v61, v57  }
0xa2: {  	vm15 =	veq.s32 v62, v49;
	v19 =	vld [tilespmem:s24+$0x1440];
	v58 =	vnsel vm14, $0x0, v15;
	v11 =	vmul.f32 $1.442695020e+00, v17  }
0xa3: {  	(erf) = vpow2.f32 v3;
	v3 =	vld [tilespmem:s24+$0x1450];
	v58 =	vadd.f32 v58, v14;
	v61 =	vpop (erf);
	v15 =	vmul.f32 $1.442695020e+00, v18  }
0xa4: {  	v2 =	vnsel vm15, $0x0, v2;
	v14 =	vadd.f32 v61, v57  }
0xa5: {  	vm4 =	veq.s32 v62, v50;
	(erf) = vpow2.f32 v11;
	v2 =	vadd.f32 v2, v58;
	v57 =	vpop (erf)  }
0xa6: {  	v58 =	vnsel vm4, $0x0, v9;
	v14 =	vadd.f32 v57, v14  }
0xa7: {  	v11 =	vld [tilespmem:s24+$0x1460];
	(erf) = vpow2.f32 v15;
	v2 =	vadd.f32 v58, v2;
	v15 =	vpop (erf)  }
0xa8: {  	v57 =	vmul.f32 $1.442695020e+00, v19;
	v58 =	vadd.f32 v15, v14;
	v15 =	vmul.f32 $1.442695020e+00, v3  }
0xa9: {  	vm5 =	veq.s32 v62, v51;
	vm6 =	veq.s32 v62, v52;
	vm7 =	veq.s32 v62, v53;
	v9 =	vld [tilespmem:s24+$0x1470]  }
0xaa: {  	(erf) = vpow2.f32 v57;
	v14 =	vmov v3;
	v3 =	vnsel vm5, $0x0, v28;
	v28 =	vpop (erf)  }
0xab: {  	(erf) = vpow2.f32 v15;
	v57 =	vadd.f32 v3, v2;
	v58 =	vadd.f32 v28, v58  }
0xac: {  	v28 =	vmul.f32 $1.442695020e+00, v11;
	v2 =	vmov v11;
	v11 =	vnsel vm6, $0x0, v12;
	v15 =	vpop (erf)  }
0xad: {  	vm8 =	veq.s32 v62, v54;
	v11 =	vadd.f32 v11, v57;
	v58 =	vadd.f32 v15, v58  }
0xae: {  	v3 =	vld [tilespmem:s24+$0x1800];
	v57 =	vmul.f32 $1.442695020e+00, v9;
	v15 =	vmov v9;
	v9 =	vnsel vm7, $0x0, v16;
	v16 =	vpop (erf)  }
0xaf: {  	v12 =	vld [tilespmem:s24+$0x1810];
	(erf) = vpow2.f32 v28;
	v9 =	vadd.f32 v9, v11;
	v58 =	vadd.f32 v16, v58  }
0xb0: {  	vm9 =	veq.s32 v62, v55;
	v63 =	vnsel vm8, $0x0, v17;
	v61 =	vpop (erf);
	v11 =	vld [tilespmem:s24+$0x1820];
	(erf) = vpow2.f32 v57  }
0xb1: {  	v17 =	vadd.f32 v63, v9;
	v57 =	vadd.f32 v61, v58;
	v63 =	vnsel vm9, $0x0, v18;
	_ =	sdelay $0x1  }
0xb2: {  	vm10 =	veq.s32 v62, v56;
	v28 =	vmul.f32 $1.442695020e+00, v3;
	v16 =	vmov v3  }
0xb3: {  	v3 =	vmov v12;
	v58 =	vmul.f32 $1.442695020e+00, v12;
	v12 =	vadd.f32 v63, v17;
	v63 =	vpop (erf)  }
0xb4: {  	(erf) = vpow2.f32 v28;
	v18 =	vmul.f32 $1.442695020e+00, v11;
	v28 =	vadd.f32 v63, v57;
	v57 =	vmovc v56;
	v56 =	vmovc v55  }
0xb5: {  	v55 =	vmovc v54;
	v54 =	vmovc v53;
	v53 =	vmov v52;
	v52 =	vmov v51;
	v51 =	vmov v50  }
0xb6: {  	v50 =	vmovc v49;
	v49 =	vmovc v48;
	v48 =	vmov v47;
	v47 =	vmov v46;
	v46 =	vmov v45  }
0xb7: {  	v45 =	vmovc v44;
	v44 =	vmovc v43;
	v43 =	vmov v42;
	v42 =	vmov v41;
	v41 =	vmov v40  }
0xb8: {  	v40 =	vmovc v39;
	v39 =	vmovc v38;
	v38 =	vmov v37;
	v37 =	vmov v36;
	v36 =	vmov v35  }
0xb9: {  	v35 =	vmovc v34;
	v34 =	vmovc v33;
	v33 =	vmov v32;
	v32 =	vmov v31;
	v31 =	vmov v30  }
0xba: {  	v30 =	vmov v29;
	v29 =	vmov v0;
	v0 =	vmov v11;
	v11 =	vpop (erf)  }
0xbb: {  	(erf) = vpow2.f32 v58;
	v58 =	vld [tilespmem:$0x1FFE0];
	v63 =	vnsel vm10, $0x0, v19;
	[tilespmem:$0x1FDF0] =	vst v11  }
0xbc: {  	v19 =	vadd.f32 v63, v12;
	v12 =	vld [tilespmem:$0x1FDF0];
	_ =	sdelay $0x3  }
0xbd: {  	vm11 =	veq.s32 v62, v58  }
0xbe: {  	v9 =	vld [tilespmem:s24+$0x1830];
	v63 =	vnsel vm11, $0x0, v14;
	v14 =	vpop (erf);
	v12 =	vadd.f32 v12, v28  }
0xbf: {  	[tilespmem:$0x1FE10] =	vst v14  }
0xc0: {  	v14 =	vadd.f32 v63, v19;
	v63 =	vld [tilespmem:$0x1FE10];
	[tilespmem:$0x1FE00] =	vst v12  }
0xc1: {  	(erf) = vpow2.f32 v18;
	v18 =	vmov v5;
	v5 =	vmov v6;
	v6 =	vld [tilespmem:$0x1FE00];
	_ =	sdelay $0x1  }
0xc2: {  	v12 =	vmul.f32 $1.442695020e+00, v9;
	_ =	sdelay $0x1  }
0xc3: {  	v61 =	vmov v60;
	v60 =	vmov v59  }
0xc4: {  	v59 =	vld [tilespmem:$0x1FFF0];
	v19 =	vmovc v10;
	v10 =	vmovc v4;
	v4 =	vmov v8;
	v8 =	vmov v7;
	v7 =	vadd.f32 v63, v6  }
0xc5: {  	(erf) = vpow2.f32 v12;
	v12 =	vpop (erf)  }
0xc6: {  	v7 =	vadd.f32 v12, v7  }
0xc7: {  	v11 =	vld [tilespmem:s24+$0x1850]  }
0xc8: {  	v17 =	vld [tilespmem:s24+$0x1840];
	[tilespmem:$0x1FE20] =	vst v7  }
0xc9: {  	vm12 =	veq.s32 v62, v59;
	v63 =	vld [tilespmem:$0x1FE20]  }
0xca: {  	v2 =	vnsel vm12, $0x0, v2  }
0xcb: {  	vm13 =	veq.s32 v62, v60;
	v14 =	vadd.f32 v2, v14  }
0xcc: {  	v12 =	vmov v11;
	v7 =	vmul.f32 $1.442695020e+00, v11;
	v11 =	vnsel vm13, $0x0, v15  }
0xcd: {  	vm14 =	veq.s32 v62, v61;
	v2 =	vld [tilespmem:s24+$0x1870];
	v6 =	vmul.f32 $1.442695020e+00, v17;
	v15 =	vpop (erf);
	v11 =	vadd.f32 v11, v14  }
0xce: {  	v15 =	vadd.f32 v15, v63;
	v63 =	vnsel vm14, $0x0, v16  }
0xcf: {  	v28 =	vmov v1;
	v1 =	vld [tilespmem:s24+$0x1860];
	(erf) = vpow2.f32 v6;
	v63 =	vadd.f32 v63, v11  }
0xd0: {  	(erf) = vpow2.f32 v7;
	v7 =	vld [tilespmem:$0x1FEA0]  }
0xd1: {  	v16 =	vpop (erf);
	[tilespmem:$0x1FE30] =	vst v63  }
0xd2: {  	v11 =	vmov v2;
	v15 =	vadd.f32 v16, v15;
	v16 =	vmul.f32 $1.442695020e+00, v2;
	v2 =	vld [tilespmem:$0x1FE30];
	_ =	sdelay $0x2  }
0xd3: {  	v14 =	vmul.f32 $1.442695020e+00, v1;
	vm15 =	veq.s32 v62, v7  }
0xd4: {  	v63 =	vnsel vm15, $0x0, v3  }
0xd5: {  	(erf) = vpow2.f32 v14;
	v14 =	vadd.f32 v63, v2;
	v2 =	vld [tilespmem:$0x1FEB0];
	_ =	sdelay $0x2  }
0xd6: {  	v63 =	vpop (erf)  }
0xd7: {  	v63 =	vadd.f32 v63, v15  }
0xd8: {  	vm4 =	veq.s32 v62, v2  }
0xd9: {  	[tilespmem:$0x1FE40] =	vst v63;
	v63 =	vnsel vm4, $0x0, v0  }
0xda: {  	(erf) = vpow2.f32 v16;
	v16 =	vadd.f32 v63, v14;
	v63 =	vld [tilespmem:$0x1FEC0];
	_ =	sdelay $0x1  }
0xdb: {  	v0 =	vpop (erf)  }
0xdc: {  	[tilespmem:$0x1FE50] =	vst v0  }
0xdd: {  	v14 =	vld [tilespmem:$0x1FE50]  }
0xde: {  	s25 =	sand.u32 $0x7, s21;
	vm5 =	veq.s32 v62, v63;
	v63 =	vld [tilespmem:$0x1FE40]  }
0xdf: {  	s25 =	sshll.u32 s25, $0x7  }
0xe0: {  	s24 =	sadd.s32 s25, s23  }
0xe1: {  	s25 =	sor.u32 $0x1C00, s24  }
0xe2: {  	v6 =	vld [tilespmem:s25+$0x0]  }
0xe3: {  	v0 =	vadd.f32 v14, v63;
	v63 =	vld [tilespmem:$0x1FED0];
	_ =	sdelay $0x3  }
0xe4: {  	[tilespmem:$0x1FE60] =	vst v0  }
0xe5: {  	v15 =	vmul.f32 $1.442695020e+00, v6;
	vm6 =	veq.s32 v62, v63;
	v63 =	vld [tilespmem:$0x1FE60];
	_ =	sdelay $0x2  }
0xe6: {  	v9 =	vnsel vm5, $0x0, v9  }
0xe7: {  	(erf) = vpow2.f32 v15;
	v15 =	vpop (erf);
	v16 =	vadd.f32 v9, v16  }
0xe8: {  	v0 =	vadd.f32 v15, v63;
	v63 =	vnsel vm6, $0x0, v17  }
0xe9: {  	v17 =	vadd.f32 v63, v16;
	v63 =	vld [tilespmem:$0x1FEE0];
	_ =	sdelay $0x3  }
0xea: {  	[tilespmem:$0x1FE70] =	vst v0;
	v0 =	vpop (erf)  }
0xeb: {  	[tilespmem:$0x1FE80] =	vst v0;
	vm7 =	veq.s32 v62, v63;
	v63 =	vld [tilespmem:$0x1FE70]  }
0xec: {  	v16 =	vld [tilespmem:$0x1FE80];
	_ =	sdelay $0x2  }
0xed: {  	s26 =	sor.u32 $0x1C20, s24  }
0xee: {  	v3 =	vld [tilespmem:s26+$0x0]  }
0xef: {  	s31 =	sor.u32 $0x1C10, s24;
	v0 =	vadd.f32 v16, v63;
	v63 =	vld [tilespmem:$0x1FEF0]  }
0xf0: {  	v7 =	vld [tilespmem:s31+$0x0];
	_ =	sdelay $0x2  }
0xf1: {  	[tilespmem:$0x1FE90] =	vst v0  }
0xf2: {  	v15 =	vmul.f32 $1.442695020e+00, v3;
	vm8 =	veq.s32 v62, v63;
	v63 =	vld [tilespmem:$0x1FE90]  }
0xf3: {  	v14 =	vmul.f32 $1.442695020e+00, v7;
	_ =	sdelay $0x1  }
0xf4: {  	s31 =	sor.u32 $0x1C30, s24;
	(erf) = vpow2.f32 v14  }
0xf5: {  	v2 =	vld [tilespmem:s31+$0x0];
	(erf) = vpow2.f32 v15;
	v15 =	vpop (erf);
	v0 =	vnsel vm7, $0x0, v12  }
0xf6: {  	s26 =	sor.u32 $0x1C40, s24;
	v12 =	vadd.f32 v0, v17;
	v0 =	vadd.f32 v15, v63  }
0xf7: {  	v9 =	vld [tilespmem:s26+$0x0];
	v1 =	vnsel vm8, $0x0, v1;
	v63 =	vpop (erf)  }
0xf8: {  	s24 =	sor.u32 $0x1C50, s24;
	v12 =	vadd.f32 v1, v12;
	v1 =	vadd.f32 v63, v0;
	v63 =	vld [tilespmem:$0x1FF00]  }
0xf9: {  	v14 =	vld [tilespmem:s24+$0x0]  }
0xfa: {  	v16 =	vmul.f32 $1.442695020e+00, v2;
	_ =	sdelay $0x1  }
0xfb: {  	(erf) = vpow2.f32 v16;
	v15 =	vmul.f32 $1.442695020e+00, v9  }
0xfc: {  	vm9 =	veq.s32 v62, v63  }
0xfd: {  	(erf) = vpow2.f32 v15;
	v0 =	vmul.f32 $1.442695020e+00, v14;
	v11 =	vnsel vm9, $0x0, v11  }
0xfe: {  	vm10 =	veq.s32 v62, v8;
	v8 =	vpop (erf);
	v11 =	vadd.f32 v11, v12  }
0xff: {  	v1 =	vadd.f32 v8, v1;
	(erf) = vpow2.f32 v0;
	v0 =	vnsel vm10, $0x0, v6  }
0x100: {  	vm11 =	veq.s32 v62, v4;
	v8 =	vpop (erf);
	v6 =	vadd.f32 v0, v11  }
0x101: {  	v1 =	vadd.f32 v8, v1;
	v11 =	vnsel vm11, $0x0, v7  }
0x102: {  	vm12 =	veq.s32 v62, v5;
	v4 =	vpop (erf);
	v0 =	vadd.f32 v11, v6  }
0x103: {  	v5 =	vnsel vm12, $0x0, v3;
	v1 =	vadd.f32 v4, v1  }
0x104: {  	vm13 =	veq.s32 v62, v10;
	v0 =	vadd.f32 v5, v0;
	v6 =	vpop (erf)  }
0x105: {  	v7 =	vnsel vm13, $0x0, v2;
	v1 =	vadd.f32 v6, v1  }
0x106: {  	vm14 =	veq.s32 v62, v18;
	v8 =	vpop (erf);
	v0 =	vadd.f32 v7, v0  }
0x107: {  	v9 =	vnsel vm14, $0x0, v9;
	v1 =	vadd.f32 v8, v1  }
0x108: {  	vm15 =	veq.s32 v62, v19;
	v10 =	vpop (erf);
	v0 =	vadd.f32 v9, v0  }
0x109: {  	v18 =	vld [tilespmem:$0x1FFB0];
	v11 =	vnsel vm15, $0x0, v14;
	v62 =	vadd.f32 v10, v1  }
0x10a: {  	v19 =	vld [tilespmem:$0x1FFD0];
	v63 =	vadd.f32 v11, v0  }
0x10b: {  	v16 =	vld [tilespmem:$0x1FF90];
	v62 =	vadd.f32 $0.0e+00, v62  }
0x10c: {  	s29 =	simm.s32 $0x80;
	s28 =	simm.s32 $0x1;
	s25 =	sadd.s32 $0x400, s23;
	v17 =	vmov v27;
	v27 =	vld [tilespmem:$0x1FFC0];
	v63 =	vadd.f32 $0.0e+00, v63  }
0x10d: {  	s30 =	simm.s32 $0x2;
	s23 =	sand.u32 $0x6000, s25;
	s31 =	sand.u32 $0x380, s29;
	v15 =	vld [tilespmem:$0x1FF80];
	[tilespmem:s17+$0x0] =	vst v62  }
0x10e: {  	s26 =	sor.u32 s31, s23;
	s23 =	smov.u32 s16;
	s24 =	smov.u32 s17;
	v14 =	vld [tilespmem:$0x1FF70];
	[tilespmem:s16+$0x0] =	vst v63  }
.LBB2_3:
0x10f: {  	v63 =	vld [tilespmem:s26+$0x0];
	_ =	sdelay $0x1  }
0x110: {  	v0 =	vld [tilespmem:s26+$0x10];
	_ =	sdelay $0x1  }
0x111: {  	v1 =	vld [tilespmem:s26+$0x20]  }
0x112: {  	v62 =	vmul.f32 $1.442695020e+00, v63  }
0x113: {  	v2 =	vld [tilespmem:s26+$0x30]  }
0x114: {  	v3 =	vmul.f32 $1.442695020e+00, v0;
	(erf) = vpow2.f32 v62;
	v62 =	vld [tilespmem:s22+$0x8000]  }
0x115: {  	v5 =	vld [tilespmem:s26+$0x40]  }
0x116: {  	v6 =	vmul.f32 $1.442695020e+00, v1;
	(erf) = vpow2.f32 v3;
	v3 =	vld [tilespmem:s26+$0x50];
	_ =	sdelay $0x1  }
0x117: {  	v8 =	vld [tilespmem:s26+$0x60];
	v7 =	vmul.f32 $1.442695020e+00, v2;
	(erf) = vpow2.f32 v6  }
0x118: {  	v12 =	vmov s28;
	vm0 =	vgt.s32 v62, $0x0  }
0x119: {  	v4 =	vld [tilespmem:s26+$0x70];
	v6 =	vmul.f32 $1.442695020e+00, v5;
	(erf) = vpow2.f32 v7;
	v62 =	vnsel vm0, $0x0, v62  }
0x11a: {  	v10 =	vmul.f32 $1.442695020e+00, v3;
	v62 =	vperm.xlane v62, v12  }
0x11b: {  	v11 =	vld [tilespmem:s26+$0x400];
	v63 =	vadd.f32 $0.0e+00, v63;
	(erf) = vpow2.f32 v6  }
0x11c: {  	v6 =	vmul.f32 $1.442695020e+00, v8;
	v7 =	vpop (erf);
	vm15 =	veq.s32 v62, v13  }
0x11d: {  	(erf) = vpow2.f32 v10;
	v7 =	vadd.f32 $0.0e+00, v7;
	v63 =	vnsel vm15, $0x0, v63  }
0x11e: {  	v9 =	vmul.f32 $1.442695020e+00, v4;
	vm1 =	veq.s32 v62, v14;
	v10 =	vpop (erf)  }
0x11f: {  	v12 =	vld [tilespmem:s26+$0x410];
	(erf) = vpow2.f32 v6;
	v0 =	vnsel vm1, $0x0, v0;
	v7 =	vadd.f32 v10, v7  }
0x120: {  	v6 =	vmul.f32 $1.442695020e+00, v11;
	v0 =	vadd.f32 v0, v63;
	v63 =	vpop (erf)  }
0x121: {  	vm4 =	veq.s32 v62, v15;
	v10 =	vld [tilespmem:s26+$0x420];
	v7 =	vadd.f32 v63, v7  }
0x122: {  	vm5 =	veq.s32 v62, v16;
	v1 =	vnsel vm4, $0x0, v1;
	(erf) = vpow2.f32 v9;
	v9 =	vpop (erf)  }
0x123: {  	vm6 =	veq.s32 v62, v17;
	v0 =	vadd.f32 v1, v0;
	v63 =	vld [tilespmem:s26+$0x430];
	v7 =	vadd.f32 v9, v7  }
0x124: {  	v2 =	vnsel vm5, $0x0, v2;
	v1 =	vmul.f32 $1.442695020e+00, v12;
	(erf) = vpow2.f32 v6;
	v6 =	vpop (erf);
	v9 =	vld [tilespmem:s26+$0x440]  }
0x125: {  	v13 =	vnsel vm6, $0x0, v5;
	v0 =	vadd.f32 v2, v0;
	v6 =	vadd.f32 v6, v7  }
0x126: {  	(erf) = vpow2.f32 v1;
	v2 =	vmul.f32 $1.442695020e+00, v10;
	v7 =	vld [tilespmem:s26+$0x450];
	v5 =	vpop (erf)  }
0x127: {  	vm7 =	veq.s32 v62, v18;
	v0 =	vadd.f32 v13, v0;
	v5 =	vadd.f32 v5, v6  }
0x128: {  	v3 =	vnsel vm7, $0x0, v3;
	v1 =	vmul.f32 $1.442695020e+00, v63;
	v13 =	vpop (erf);
	(erf) = vpow2.f32 v2  }
0x129: {  	vm8 =	veq.s32 v62, v19;
	v0 =	vadd.f32 v3, v0;
	v2 =	vmul.f32 $1.442695020e+00, v9  }
0x12a: {  	(erf) = vpow2.f32 v1;
	v3 =	vadd.f32 v13, v5;
	v13 =	vnsel vm8, $0x0, v8  }
0x12b: {  	vm9 =	veq.s32 v62, v20;
	v6 =	vld [tilespmem:s26+$0x460];
	v0 =	vadd.f32 v13, v0;
	v1 =	vmul.f32 $1.442695020e+00, v7;
	v5 =	vpop (erf)  }
0x12c: {  	v13 =	vnsel vm9, $0x0, v4;
	(erf) = vpow2.f32 v2;
	v3 =	vadd.f32 v5, v3  }
0x12d: {  	vm10 =	veq.s32 v62, v21;
	v0 =	vadd.f32 v13, v0;
	v4 =	vpop (erf)  }
0x12e: {  	v13 =	vnsel vm10, $0x0, v11;
	(erf) = vpow2.f32 v1;
	v3 =	vadd.f32 v4, v3  }
0x12f: {  	vm11 =	veq.s32 v62, v22;
	vm13 =	veq.s32 v62, v24;
	v8 =	vld [tilespmem:s26+$0x470];
	v0 =	vadd.f32 v13, v0;
	v4 =	vpop (erf)  }
0x130: {  	v5 =	vld [tilespmem:s26+$0x800];
	v2 =	vmul.f32 $1.442695020e+00, v6;
	v13 =	vnsel vm11, $0x0, v12;
	v3 =	vadd.f32 v4, v3  }
0x131: {  	vm12 =	veq.s32 v62, v23;
	v63 =	vnsel vm13, $0x0, v63;
	v0 =	vadd.f32 v13, v0;
	v4 =	vpop (erf)  }
0x132: {  	(erf) = vpow2.f32 v2;
	v13 =	vnsel vm12, $0x0, v10;
	v3 =	vadd.f32 v4, v3  }
0x133: {  	v0 =	vadd.f32 v13, v0;
	v4 =	vpop (erf)  }
0x134: {  	v1 =	vmul.f32 $1.442695020e+00, v8;
	v3 =	vadd.f32 v4, v3  }
0x135: {  	v11 =	vld [tilespmem:s26+$0x810];
	v2 =	vmul.f32 $1.442695020e+00, v5;
	v0 =	vadd.f32 v63, v0;
	v63 =	vpop (erf)  }
0x136: {  	v12 =	vld [tilespmem:s26+$0x820];
	(erf) = vpow2.f32 v1;
	v3 =	vadd.f32 v63, v3  }
0x137: {  	vm14 =	veq.s32 v62, v25;
	vm15 =	veq.s32 v62, v26;
	(erf) = vpow2.f32 v2;
	v63 =	vpop (erf)  }
0x138: {  	v4 =	vnsel vm14, $0x0, v9;
	v3 =	vadd.f32 v63, v3;
	v63 =	vnsel vm15, $0x0, v7  }
0x139: {  	v10 =	vld [tilespmem:s26+$0x830];
	v0 =	vadd.f32 v4, v0  }
0x13a: {  	v1 =	vmul.f32 $1.442695020e+00, v11  }
0x13b: {  	vm4 =	veq.s32 v62, v27;
	v13 =	vld [tilespmem:s26+$0x840];
	v2 =	vmul.f32 $1.442695020e+00, v12;
	v0 =	vadd.f32 v63, v0;
	v63 =	vpop (erf)  }
0x13c: {  	v9 =	vld [tilespmem:s26+$0x850];
	(erf) = vpow2.f32 v1;
	v3 =	vadd.f32 v63, v3;
	v63 =	vnsel vm4, $0x0, v6;
	_ =	sdelay $0x1  }
0x13d: {  	v1 =	vmul.f32 $1.442695020e+00, v10;
	(erf) = vpow2.f32 v2  }
0x13e: {  	vm5 =	veq.s32 v62, v28;
	v7 =	vld [tilespmem:s26+$0x860];
	v0 =	vadd.f32 v63, v0;
	v63 =	vpop (erf)  }
0x13f: {  	v2 =	vmul.f32 $1.442695020e+00, v13;
	(erf) = vpow2.f32 v1;
	v3 =	vadd.f32 v63, v3  }
0x140: {  	vm6 =	veq.s32 v62, v29;
	v4 =	vnsel vm5, $0x0, v8;
	v1 =	vmul.f32 $1.442695020e+00, v9;
	v63 =	vpop (erf)  }
0x141: {  	(erf) = vpow2.f32 v2;
	v3 =	vadd.f32 v63, v3;
	v63 =	vnsel vm6, $0x0, v5  }
0x142: {  	v6 =	vld [tilespmem:s26+$0x870];
	v0 =	vadd.f32 v4, v0  }
0x143: {  	v2 =	vmul.f32 $1.442695020e+00, v7;
	(erf) = vpow2.f32 v1  }
0x144: {  	v0 =	vadd.f32 v63, v0;
	v63 =	vpop (erf)  }
0x145: {  	(erf) = vpow2.f32 v2;
	v3 =	vadd.f32 v63, v3  }
0x146: {  	vm7 =	veq.s32 v62, v30;
	v8 =	vld [tilespmem:s26+$0xC00];
	v63 =	vpop (erf)  }
0x147: {  	v4 =	vnsel vm7, $0x0, v11;
	v1 =	vmul.f32 $1.442695020e+00, v6;
	v5 =	vld [tilespmem:s26+$0xC10];
	v3 =	vadd.f32 v63, v3  }
0x148: {  	vm8 =	veq.s32 v62, v31;
	v0 =	vadd.f32 v4, v0;
	v63 =	vpop (erf)  }
0x149: {  	v4 =	vnsel vm8, $0x0, v12;
	(erf) = vpow2.f32 v1;
	v3 =	vadd.f32 v63, v3  }
0x14a: {  	vm9 =	veq.s32 v62, v32;
	vm10 =	veq.s32 v62, v33;
	v0 =	vadd.f32 v4, v0;
	v63 =	vpop (erf)  }
0x14b: {  	v2 =	vmul.f32 $1.442695020e+00, v8;
	v4 =	vnsel vm9, $0x0, v10;
	v3 =	vadd.f32 v63, v3  }
0x14c: {  	vm11 =	veq.s32 v62, v34;
	v11 =	vld [tilespmem:s26+$0xC20];
	v1 =	vmul.f32 $1.442695020e+00, v5;
	v0 =	vadd.f32 v4, v0;
	v63 =	vpop (erf)  }
0x14d: {  	v12 =	vld [tilespmem:s26+$0xC30];
	(erf) = vpow2.f32 v2;
	v4 =	vnsel vm10, $0x0, v13;
	v3 =	vadd.f32 v63, v3  }
0x14e: {  	vm12 =	veq.s32 v62, v35;
	(erf) = vpow2.f32 v1;
	v0 =	vadd.f32 v4, v0;
	v63 =	vpop (erf)  }
0x14f: {  	v4 =	vnsel vm11, $0x0, v9;
	v3 =	vadd.f32 v63, v3;
	v63 =	vnsel vm12, $0x0, v7  }
0x150: {  	v10 =	vld [tilespmem:s26+$0xC40];
	v0 =	vadd.f32 v4, v0  }
0x151: {  	v2 =	vmul.f32 $1.442695020e+00, v11  }
0x152: {  	vm13 =	veq.s32 v62, v36;
	v13 =	vld [tilespmem:s26+$0xC50];
	v1 =	vmul.f32 $1.442695020e+00, v12;
	v0 =	vadd.f32 v63, v0;
	v63 =	vpop (erf)  }
0x153: {  	v9 =	vld [tilespmem:s26+$0xC60];
	(erf) = vpow2.f32 v2;
	v3 =	vadd.f32 v63, v3;
	v63 =	vnsel vm13, $0x0, v6;
	_ =	sdelay $0x1  }
0x154: {  	v2 =	vmul.f32 $1.442695020e+00, v10;
	(erf) = vpow2.f32 v1  }
0x155: {  	vm14 =	veq.s32 v62, v37;
	v7 =	vld [tilespmem:s26+$0xC70];
	v0 =	vadd.f32 v63, v0;
	v63 =	vpop (erf)  }
0x156: {  	v1 =	vmul.f32 $1.442695020e+00, v13;
	(erf) = vpow2.f32 v2;
	v3 =	vadd.f32 v63, v3  }
0x157: {  	vm15 =	veq.s32 v62, v38;
	v4 =	vnsel vm14, $0x0, v8;
	v2 =	vmul.f32 $1.442695020e+00, v9;
	v63 =	vpop (erf)  }
0x158: {  	(erf) = vpow2.f32 v1;
	v3 =	vadd.f32 v63, v3;
	v63 =	vnsel vm15, $0x0, v5  }
0x159: {  	v6 =	vld [tilespmem:s26+$0x1000];
	v0 =	vadd.f32 v4, v0  }
0x15a: {  	v1 =	vmul.f32 $1.442695020e+00, v7;
	(erf) = vpow2.f32 v2  }
0x15b: {  	v0 =	vadd.f32 v63, v0;
	v63 =	vpop (erf)  }
0x15c: {  	(erf) = vpow2.f32 v1;
	v3 =	vadd.f32 v63, v3  }
0x15d: {  	vm4 =	veq.s32 v62, v39;
	v8 =	vld [tilespmem:s26+$0x1010];
	v63 =	vpop (erf)  }
0x15e: {  	v4 =	vnsel vm4, $0x0, v11;
	v2 =	vmul.f32 $1.442695020e+00, v6;
	v5 =	vld [tilespmem:s26+$0x1020];
	v3 =	vadd.f32 v63, v3  }
0x15f: {  	vm5 =	veq.s32 v62, v40;
	v0 =	vadd.f32 v4, v0;
	v63 =	vpop (erf)  }
0x160: {  	v4 =	vnsel vm5, $0x0, v12;
	(erf) = vpow2.f32 v2;
	v3 =	vadd.f32 v63, v3  }
0x161: {  	vm7 =	veq.s32 v62, v42;
	vm6 =	veq.s32 v62, v41;
	v0 =	vadd.f32 v4, v0;
	v63 =	vpop (erf)  }
0x162: {  	v1 =	vmul.f32 $1.442695020e+00, v8;
	v4 =	vnsel vm6, $0x0, v10;
	v3 =	vadd.f32 v63, v3  }
0x163: {  	vm8 =	veq.s32 v62, v43;
	v11 =	vld [tilespmem:s26+$0x1030];
	v2 =	vmul.f32 $1.442695020e+00, v5;
	v0 =	vadd.f32 v4, v0;
	v63 =	vpop (erf)  }
0x164: {  	v12 =	vld [tilespmem:s26+$0x1040];
	(erf) = vpow2.f32 v1;
	v4 =	vnsel vm7, $0x0, v13;
	v3 =	vadd.f32 v63, v3  }
0x165: {  	vm9 =	veq.s32 v62, v44;
	(erf) = vpow2.f32 v2;
	v0 =	vadd.f32 v4, v0;
	v63 =	vpop (erf)  }
0x166: {  	v4 =	vnsel vm8, $0x0, v9;
	v3 =	vadd.f32 v63, v3;
	v63 =	vnsel vm9, $0x0, v7  }
0x167: {  	v10 =	vld [tilespmem:s26+$0x1050];
	v0 =	vadd.f32 v4, v0  }
0x168: {  	v1 =	vmul.f32 $1.442695020e+00, v11  }
0x169: {  	vm10 =	veq.s32 v62, v45;
	v13 =	vld [tilespmem:s26+$0x1060];
	v2 =	vmul.f32 $1.442695020e+00, v12;
	v0 =	vadd.f32 v63, v0;
	v63 =	vpop (erf)  }
0x16a: {  	v9 =	vld [tilespmem:s26+$0x1070];
	(erf) = vpow2.f32 v1;
	v3 =	vadd.f32 v63, v3;
	v63 =	vnsel vm10, $0x0, v6;
	_ =	sdelay $0x1  }
0x16b: {  	v1 =	vmul.f32 $1.442695020e+00, v10;
	(erf) = vpow2.f32 v2  }
0x16c: {  	vm11 =	veq.s32 v62, v46;
	v7 =	vld [tilespmem:s26+$0x1400];
	v0 =	vadd.f32 v63, v0;
	v63 =	vpop (erf)  }
0x16d: {  	v2 =	vmul.f32 $1.442695020e+00, v13;
	(erf) = vpow2.f32 v1;
	v3 =	vadd.f32 v63, v3  }
0x16e: {  	vm12 =	veq.s32 v62, v47;
	v4 =	vnsel vm11, $0x0, v8;
	v1 =	vmul.f32 $1.442695020e+00, v9;
	v63 =	vpop (erf)  }
0x16f: {  	(erf) = vpow2.f32 v2;
	v3 =	vadd.f32 v63, v3;
	v63 =	vnsel vm12, $0x0, v5  }
0x170: {  	v6 =	vld [tilespmem:s26+$0x1410];
	v0 =	vadd.f32 v4, v0  }
0x171: {  	v2 =	vmul.f32 $1.442695020e+00, v7;
	(erf) = vpow2.f32 v1  }
0x172: {  	v0 =	vadd.f32 v63, v0;
	v63 =	vpop (erf)  }
0x173: {  	(erf) = vpow2.f32 v2;
	v3 =	vadd.f32 v63, v3  }
0x174: {  	vm13 =	veq.s32 v62, v48;
	v8 =	vld [tilespmem:s26+$0x1420];
	v63 =	vpop (erf)  }
0x175: {  	v4 =	vnsel vm13, $0x0, v11;
	v1 =	vmul.f32 $1.442695020e+00, v6;
	v5 =	vld [tilespmem:s26+$0x1430];
	v3 =	vadd.f32 v63, v3  }
0x176: {  	vm14 =	veq.s32 v62, v49;
	v0 =	vadd.f32 v4, v0;
	v63 =	vpop (erf)  }
0x177: {  	v4 =	vnsel vm14, $0x0, v12;
	(erf) = vpow2.f32 v1;
	v3 =	vadd.f32 v63, v3  }
0x178: {  	vm4 =	veq.s32 v62, v51;
	vm15 =	veq.s32 v62, v50;
	v0 =	vadd.f32 v4, v0;
	v63 =	vpop (erf)  }
0x179: {  	v2 =	vmul.f32 $1.442695020e+00, v8;
	v4 =	vnsel vm15, $0x0, v10;
	v3 =	vadd.f32 v63, v3  }
0x17a: {  	vm5 =	veq.s32 v62, v52;
	v1 =	vmul.f32 $1.442695020e+00, v5;
	v0 =	vadd.f32 v4, v0;
	v63 =	vpop (erf)  }
0x17b: {  	(erf) = vpow2.f32 v2;
	v4 =	vnsel vm4, $0x0, v13;
	v3 =	vadd.f32 v63, v3  }
0x17c: {  	vm6 =	veq.s32 v62, v53;
	(erf) = vpow2.f32 v1;
	v0 =	vadd.f32 v4, v0;
	v63 =	vpop (erf)  }
0x17d: {  	v4 =	vnsel vm5, $0x0, v9;
	v3 =	vadd.f32 v63, v3;
	v63 =	vnsel vm6, $0x0, v7  }
0x17e: {  	v0 =	vadd.f32 v4, v0;
	_ =	sdelay $0x1  }
0x17f: {  	vm7 =	veq.s32 v62, v54;
	v0 =	vadd.f32 v63, v0;
	v63 =	vpop (erf)  }
0x180: {  	v11 =	vld [tilespmem:s26+$0x1440];
	v3 =	vadd.f32 v63, v3;
	v63 =	vnsel vm7, $0x0, v6;
	_ =	sdelay $0x1  }
0x181: {  	v12 =	vld [tilespmem:s26+$0x1450]  }
0x182: {  	vm8 =	veq.s32 v62, v55;
	v0 =	vadd.f32 v63, v0;
	v63 =	vpop (erf)  }
0x183: {  	v10 =	vld [tilespmem:s26+$0x1460];
	v4 =	vnsel vm8, $0x0, v8;
	v3 =	vadd.f32 v63, v3  }
0x184: {  	vm9 =	veq.s32 v62, v56;
	v2 =	vmul.f32 $1.442695020e+00, v11;
	v0 =	vadd.f32 v4, v0;
	v63 =	vpop (erf)  }
0x185: {  	vm10 =	veq.s32 v62, v57;
	v13 =	vld [tilespmem:s26+$0x1470];
	v3 =	vadd.f32 v63, v3;
	v63 =	vnsel vm9, $0x0, v5  }
0x186: {  	v1 =	vmul.f32 $1.442695020e+00, v12;
	(erf) = vpow2.f32 v2;
	v0 =	vadd.f32 v63, v0  }
0x187: {  	vm11 =	veq.s32 v62, v58;
	v9 =	vld [tilespmem:s26+$0x1800];
	v4 =	vnsel vm10, $0x0, v11  }
0x188: {  	v2 =	vmul.f32 $1.442695020e+00, v10;
	(erf) = vpow2.f32 v1;
	v0 =	vadd.f32 v4, v0  }
0x189: {  	vm12 =	veq.s32 v62, v59;
	v7 =	vld [tilespmem:s26+$0x1810];
	v4 =	vnsel vm11, $0x0, v12  }
0x18a: {  	v1 =	vmul.f32 $1.442695020e+00, v13;
	(erf) = vpow2.f32 v2;
	v0 =	vadd.f32 v4, v0  }
0x18b: {  	vm13 =	veq.s32 v62, v60;
	v4 =	vnsel vm12, $0x0, v10  }
0x18c: {  	v2 =	vmul.f32 $1.442695020e+00, v9;
	(erf) = vpow2.f32 v1;
	v0 =	vadd.f32 v4, v0  }
0x18d: {  	vm14 =	veq.s32 v62, v61;
	v6 =	vld [tilespmem:s26+$0x1820];
	v4 =	vnsel vm13, $0x0, v13  }
0x18e: {  	v1 =	vmul.f32 $1.442695020e+00, v7;
	(erf) = vpow2.f32 v2;
	v0 =	vadd.f32 v4, v0  }
0x18f: {  	v63 =	vpop (erf);
	v4 =	vnsel vm14, $0x0, v9  }
0x190: {  	(erf) = vpow2.f32 v1;
	v3 =	vadd.f32 v63, v3;
	v0 =	vadd.f32 v4, v0;
	v4 =	vld [tilespmem:$0x1FEA0]  }
0x191: {  	v63 =	vpop (erf)  }
0x192: {  	v2 =	vmul.f32 $1.442695020e+00, v6;
	v3 =	vadd.f32 v63, v3  }
0x193: {  	v63 =	vpop (erf)  }
0x194: {  	(erf) = vpow2.f32 v2;
	v3 =	vadd.f32 v63, v3  }
0x195: {  	v63 =	vpop (erf);
	vm15 =	veq.s32 v62, v4;
	v4 =	vld [tilespmem:$0x1FEB0]  }
0x196: {  	v3 =	vadd.f32 v63, v3  }
0x197: {  	v8 =	vld [tilespmem:s26+$0x1830];
	v63 =	vpop (erf)  }
0x198: {  	v5 =	vld [tilespmem:s26+$0x1840];
	v3 =	vadd.f32 v63, v3  }
0x199: {  	v63 =	vpop (erf)  }
0x19a: {  	v3 =	vadd.f32 v63, v3;
	v63 =	vnsel vm15, $0x0, v7;
	vm4 =	veq.s32 v62, v4;
	v4 =	vld [tilespmem:$0x1FEC0];
	_ =	sdelay $0x1  }
0x19b: {  	v1 =	vmul.f32 $1.442695020e+00, v8  }
0x19c: {  	v2 =	vmul.f32 $1.442695020e+00, v5;
	v0 =	vadd.f32 v63, v0;
	v63 =	vpop (erf)  }
0x19d: {  	(erf) = vpow2.f32 v1;
	v3 =	vadd.f32 v63, v3;
	v63 =	vnsel vm4, $0x0, v6  }
0x19e: {  	v0 =	vadd.f32 v63, v0;
	vm5 =	veq.s32 v62, v4  }
0x19f: {  	(erf) = vpow2.f32 v2;
	v4 =	vnsel vm5, $0x0, v8  }
0x1a0: {  	v0 =	vadd.f32 v4, v0;
	v4 =	vld [tilespmem:$0x1FED0];
	_ =	sdelay $0x4  }
0x1a1: {  	vm6 =	veq.s32 v62, v4;
	v4 =	vld [tilespmem:$0x1FEE0]  }
0x1a2: {  	v11 =	vld [tilespmem:s26+$0x1850];
	v63 =	vpop (erf)  }
0x1a3: {  	v3 =	vadd.f32 v63, v3  }
0x1a4: {  	s21 =	sadd.s32 $0x1, s21;
	v12 =	vld [tilespmem:s26+$0x1860];
	v63 =	vpop (erf)  }
0x1a5: {  	s31 =	sand.u32 $0x7, s21;
	v3 =	vadd.f32 v63, v3;
	v63 =	vnsel vm6, $0x0, v5  }
0x1a6: {  	s31 =	sshll.u32 s31, $0x7;
	v10 =	vld [tilespmem:s26+$0x1870];
	v0 =	vadd.f32 v63, v0;
	vm7 =	veq.s32 v62, v4  }
0x1a7: {  	s31 =	sadd.s32 s31, s25;
	v1 =	vmul.f32 $1.442695020e+00, v11;
	v11 =	vnsel vm7, $0x0, v11  }
0x1a8: {  	s26 =	sor.u32 $0x1C00, s31;
	v0 =	vadd.f32 v11, v0;
	v11 =	vld [tilespmem:$0x1FEF0]  }
0x1a9: {  	v13 =	vld [tilespmem:s26+$0x0];
	v2 =	vmul.f32 $1.442695020e+00, v12;
	(erf) = vpow2.f32 v1;
	_ =	sdelay $0x1  }
0x1aa: {  	s26 =	sor.u32 $0x1C10, s31;
	v1 =	vmul.f32 $1.442695020e+00, v10;
	(erf) = vpow2.f32 v2  }
0x1ab: {  	v9 =	vld [tilespmem:s26+$0x0]  }
0x1ac: {  	(erf) = vpow2.f32 v1;
	vm8 =	veq.s32 v62, v11;
	v11 =	vld [tilespmem:$0x1FF00]  }
0x1ad: {  	v2 =	vmul.f32 $1.442695020e+00, v13;
	_ =	sdelay $0x1  }
0x1ae: {  	s26 =	sor.u32 $0x1C20, s31;
	(erf) = vpow2.f32 v2  }
0x1af: {  	v7 =	vld [tilespmem:s26+$0x0];
	s26 =	sor.u32 $0x1C30, s31;
	v4 =	vnsel vm8, $0x0, v12  }
0x1b0: {  	v1 =	vmul.f32 $1.442695020e+00, v9;
	v6 =	vld [tilespmem:s26+$0x0];
	s26 =	sor.u32 $0x1C40, s31;
	v63 =	vpop (erf);
	v0 =	vadd.f32 v4, v0;
	vm9 =	veq.s32 v62, v11  }
0x1b1: {  	v8 =	vld [tilespmem:s26+$0x0];
	v3 =	vadd.f32 v63, v3;
	v11 =	vnsel vm9, $0x0, v10  }
0x1b2: {  	(erf) = vpow2.f32 v1;
	v63 =	vpop (erf);
	v0 =	vadd.f32 v11, v0;
	v11 =	vld [tilespmem:$0x1FF20]  }
0x1b3: {  	s31 =	sor.u32 $0x1C50, s31;
	v3 =	vadd.f32 v63, v3  }
0x1b4: {  	v2 =	vmul.f32 $1.442695020e+00, v7;
	v5 =	vld [tilespmem:s31+$0x0];
	v63 =	vpop (erf)  }
0x1b5: {  	v1 =	vmul.f32 $1.442695020e+00, v6;
	v3 =	vadd.f32 v63, v3;
	v63 =	vld [tilespmem:$0x1FF10]  }
0x1b6: {  	(erf) = vpow2.f32 v2;
	v2 =	vmul.f32 $1.442695020e+00, v8  }
0x1b7: {  	(erf) = vpow2.f32 v1;
	v4 =	vpop (erf);
	vm11 =	veq.s32 v62, v11  }
0x1b8: {  	(erf) = vpow2.f32 v2;
	v2 =	vadd.f32 v4, v3;
	v4 =	vnsel vm11, $0x0, v9;
	v9 =	vld [tilespmem:$0x1FF30];
	_ =	sdelay $0x1  }
0x1b9: {  	v1 =	vmul.f32 $1.442695020e+00, v5;
	vm10 =	veq.s32 v62, v63  }
0x1ba: {  	v63 =	vpop (erf);
	v10 =	vnsel vm10, $0x0, v13  }
0x1bb: {  	(erf) = vpow2.f32 v1;
	v1 =	vadd.f32 v63, v2;
	v63 =	vld [tilespmem:$0x1FF40];
	v0 =	vadd.f32 v10, v0  }
0x1bc: {  	vm12 =	veq.s32 v62, v9  }
0x1bd: {  	v0 =	vadd.f32 v4, v0;
	v11 =	vnsel vm12, $0x0, v7;
	v7 =	vld [tilespmem:$0x1FF50]  }
0x1be: {  	v10 =	vpop (erf)  }
0x1bf: {  	v1 =	vadd.f32 v10, v1;
	v0 =	vadd.f32 v11, v0;
	v11 =	vld [tilespmem:$0x1FF60]  }
0x1c0: {  	vm13 =	veq.s32 v62, v63;
	v4 =	vpop (erf)  }
0x1c1: {  	v6 =	vnsel vm13, $0x0, v6;
	v1 =	vadd.f32 v4, v1  }
0x1c2: {  	v9 =	vpop (erf);
	v0 =	vadd.f32 v6, v0;
	vm14 =	veq.s32 v62, v7  }
0x1c3: {  	v1 =	vadd.f32 v9, v1;
	v10 =	vnsel vm14, $0x0, v8  }
0x1c4: {  	vm15 =	veq.s32 v62, v11;
	v62 =	vpop (erf);
	v0 =	vadd.f32 v10, v0  }
0x1c5: {  	p1 =	sne.s32 s30, $0xF;
	v1 =	vadd.f32 v62, v1;
	v63 =	vnsel vm15, $0x0, v5  }
.Ltmp0:
0x1c6: {  	v0 =	vadd.f32 v63, v0;
	(pc) =	sbr.rel @p1 .LBB2_3-.Ltmp0, $4  }
0x1c7: {  	v1 =	vadd.f32 $0.0e+00, v1  }
0x1c8: {  	s29 =	sadd.s32 $0x80, s29;
	s24 =	sadd.s32 $0x10, s24;
	s25 =	sadd.s32 $0x400, s25;
	v0 =	vadd.f32 $0.0e+00, v0  }
0x1c9: {  	s23 =	sadd.s32 $0x10, s23;
	s26 =	sand.u32 $0x6000, s25;
	s31 =	sand.u32 $0x380, s29;
	[tilespmem:s24+$0x0] =	vst v1  }
0x1ca: {  	s28 =	smov.u32 s30;
	s30 =	sadd.s32 $0x1, s30;
	s26 =	sor.u32 s31, s26;
	v13 =	vlaneseq.u32;
	[tilespmem:s23+$0x0] =	vst v0  }
0x1cb: {  	v0 =	vld [tilespmem:s26+$0x0];
	_ =	sdelay $0x1  }
0x1cc: {  	v1 =	vld [tilespmem:s26+$0x10];
	_ =	sdelay $0x1  }
0x1cd: {  	v2 =	vld [tilespmem:s26+$0x20]  }
0x1ce: {  	v4 =	vld [tilespmem:s26+$0x30];
	v3 =	vmul.f32 $1.442695020e+00, v0  }
0x1cf: {  	v7 =	vld [tilespmem:s22+$0x8000]  }
0x1d0: {  	v5 =	vmul.f32 $1.442695020e+00, v1;
	(erf) = vpow2.f32 v3;
	v3 =	vld [tilespmem:s26+$0x40];
	_ =	sdelay $0x1  }
0x1d1: {  	v8 =	vmul.f32 $1.442695020e+00, v2;
	(erf) = vpow2.f32 v5;
	v5 =	vld [tilespmem:s26+$0x50];
	_ =	sdelay $0x1  }
0x1d2: {  	v10 =	vld [tilespmem:s26+$0x60];
	v9 =	vmul.f32 $1.442695020e+00, v4;
	(erf) = vpow2.f32 v8  }
0x1d3: {  	vm0 =	vgt.s32 v7, $0x0;
	v8 =	vmul.f32 $1.442695020e+00, v3  }
0x1d4: {  	v6 =	vld [tilespmem:s26+$0x70];
	v7 =	vnsel vm0, $0x0, v7;
	(erf) = vpow2.f32 v9;
	v9 =	vmov s28  }
0x1d5: {  	v62 =	vperm.xlane v7, v9;
	v12 =	vmul.f32 $1.442695020e+00, v5  }
0x1d6: {  	v0 =	vadd.f32 $0.0e+00, v0  }
0x1d7: {  	v7 =	vmul.f32 $1.442695020e+00, v10;
	v9 =	vld [tilespmem:s26+$0x400];
	vm1 =	veq.s32 v62, v14;
	(erf) = vpow2.f32 v8;
	v8 =	vpop (erf)  }
0x1d8: {  	v1 =	vnsel vm1, $0x0, v1;
	(erf) = vpow2.f32 v12;
	v8 =	vadd.f32 $0.0e+00, v8  }
0x1d9: {  	v11 =	vmul.f32 $1.442695020e+00, v6;
	vm15 =	veq.s32 v62, v13;
	v12 =	vpop (erf);
	(erf) = vpow2.f32 v7;
	v7 =	vld [tilespmem:s26+$0x410]  }
0x1da: {  	v0 =	vnsel vm15, $0x0, v0;
	v8 =	vadd.f32 v12, v8  }
0x1db: {  	v0 =	vadd.f32 v1, v0;
	v1 =	vpop (erf)  }
0x1dc: {  	vm4 =	veq.s32 v62, v15;
	v12 =	vld [tilespmem:s26+$0x420];
	v1 =	vadd.f32 v1, v8;
	v8 =	vmul.f32 $1.442695020e+00, v9  }
0x1dd: {  	v2 =	vnsel vm4, $0x0, v2;
	(erf) = vpow2.f32 v11;
	v11 =	vpop (erf)  }
0x1de: {  	v0 =	vadd.f32 v2, v0;
	v2 =	vld [tilespmem:s26+$0x430];
	v1 =	vadd.f32 v11, v1;
	v11 =	vmul.f32 $1.442695020e+00, v7  }
0x1df: {  	vm5 =	veq.s32 v62, v16  }
0x1e0: {  	vm6 =	veq.s32 v62, v17;
	v4 =	vnsel vm5, $0x0, v4;
	(erf) = vpow2.f32 v8;
	v8 =	vpop (erf)  }
0x1e1: {  	v0 =	vadd.f32 v4, v0;
	v1 =	vadd.f32 v8, v1;
	v8 =	vmul.f32 $1.442695020e+00, v12  }
0x1e2: {  	v3 =	vnsel vm6, $0x0, v3;
	(erf) = vpow2.f32 v11;
	v11 =	vpop (erf)  }
0x1e3: {  	v0 =	vadd.f32 v3, v0;
	v3 =	vld [tilespmem:s26+$0x450];
	v1 =	vadd.f32 v11, v1;
	v11 =	vmul.f32 $1.442695020e+00, v2  }
0x1e4: {  	vm7 =	veq.s32 v62, v18;
	v4 =	vld [tilespmem:s26+$0x440]  }
0x1e5: {  	vm8 =	veq.s32 v62, v19;
	v5 =	vnsel vm7, $0x0, v5;
	(erf) = vpow2.f32 v8;
	v8 =	vpop (erf)  }
0x1e6: {  	vm9 =	veq.s32 v62, v20;
	v0 =	vadd.f32 v5, v0;
	v5 =	vld [tilespmem:s26+$0x460];
	v1 =	vadd.f32 v8, v1  }
0x1e7: {  	v10 =	vnsel vm8, $0x0, v10;
	v6 =	vnsel vm9, $0x0, v6;
	(erf) = vpow2.f32 v11;
	v11 =	vpop (erf)  }
0x1e8: {  	v0 =	vadd.f32 v10, v0;
	v10 =	vld [tilespmem:s26+$0x470];
	v1 =	vadd.f32 v11, v1;
	v11 =	vmul.f32 $1.442695020e+00, v3  }
0x1e9: {  	v8 =	vmul.f32 $1.442695020e+00, v4  }
0x1ea: {  	vm10 =	veq.s32 v62, v21;
	v0 =	vadd.f32 v6, v0;
	v6 =	vpop (erf)  }
0x1eb: {  	(erf) = vpow2.f32 v8;
	v8 =	vld [tilespmem:s26+$0x800];
	v1 =	vadd.f32 v6, v1;
	v6 =	vmul.f32 $1.442695020e+00, v5  }
0x1ec: {  	v9 =	vnsel vm10, $0x0, v9;
	(erf) = vpow2.f32 v11;
	v11 =	vpop (erf)  }
0x1ed: {  	v0 =	vadd.f32 v9, v0;
	v9 =	vld [tilespmem:s26+$0x810];
	v1 =	vadd.f32 v11, v1;
	v11 =	vmul.f32 $1.442695020e+00, v10  }
0x1ee: {  	vm11 =	veq.s32 v62, v22  }
0x1ef: {  	vm12 =	veq.s32 v62, v23;
	v7 =	vnsel vm11, $0x0, v7;
	(erf) = vpow2.f32 v6;
	v6 =	vpop (erf)  }
0x1f0: {  	v0 =	vadd.f32 v7, v0;
	v1 =	vadd.f32 v6, v1;
	v6 =	vmul.f32 $1.442695020e+00, v8  }
0x1f1: {  	v12 =	vnsel vm12, $0x0, v12;
	(erf) = vpow2.f32 v11;
	v11 =	vpop (erf)  }
0x1f2: {  	v0 =	vadd.f32 v12, v0;
	v12 =	vld [tilespmem:s26+$0x830];
	v1 =	vadd.f32 v11, v1;
	v11 =	vmul.f32 $1.442695020e+00, v9  }
0x1f3: {  	vm13 =	veq.s32 v62, v24;
	v7 =	vld [tilespmem:s26+$0x820]  }
0x1f4: {  	vm14 =	veq.s32 v62, v25;
	v2 =	vnsel vm13, $0x0, v2;
	(erf) = vpow2.f32 v6;
	v6 =	vpop (erf)  }
0x1f5: {  	vm15 =	veq.s32 v62, v26;
	v0 =	vadd.f32 v2, v0;
	v2 =	vld [tilespmem:s26+$0x840];
	v1 =	vadd.f32 v6, v1  }
0x1f6: {  	v4 =	vnsel vm14, $0x0, v4;
	v3 =	vnsel vm15, $0x0, v3;
	(erf) = vpow2.f32 v11;
	v11 =	vpop (erf)  }
0x1f7: {  	v0 =	vadd.f32 v4, v0;
	v4 =	vld [tilespmem:s26+$0x850];
	v1 =	vadd.f32 v11, v1;
	v11 =	vmul.f32 $1.442695020e+00, v12  }
0x1f8: {  	v6 =	vmul.f32 $1.442695020e+00, v7  }
0x1f9: {  	vm4 =	veq.s32 v62, v27;
	v0 =	vadd.f32 v3, v0;
	v3 =	vpop (erf)  }
0x1fa: {  	(erf) = vpow2.f32 v6;
	v6 =	vld [tilespmem:s26+$0x860];
	v1 =	vadd.f32 v3, v1;
	v3 =	vmul.f32 $1.442695020e+00, v2  }
0x1fb: {  	v5 =	vnsel vm4, $0x0, v5;
	(erf) = vpow2.f32 v11;
	v11 =	vpop (erf)  }
0x1fc: {  	v0 =	vadd.f32 v5, v0;
	v5 =	vld [tilespmem:s26+$0x870];
	v1 =	vadd.f32 v11, v1;
	v11 =	vmul.f32 $1.442695020e+00, v4  }
0x1fd: {  	vm5 =	veq.s32 v62, v28  }
0x1fe: {  	vm6 =	veq.s32 v62, v29;
	v10 =	vnsel vm5, $0x0, v10;
	(erf) = vpow2.f32 v3;
	v3 =	vpop (erf)  }
0x1ff: {  	v0 =	vadd.f32 v10, v0;
	v10 =	vld [tilespmem:s26+$0xC00];
	v1 =	vadd.f32 v3, v1;
	v3 =	vmul.f32 $1.442695020e+00, v6  }
0x200: {  	v8 =	vnsel vm6, $0x0, v8;
	(erf) = vpow2.f32 v11;
	v11 =	vpop (erf)  }
0x201: {  	v0 =	vadd.f32 v8, v0;
	v8 =	vld [tilespmem:s26+$0xC10];
	v1 =	vadd.f32 v11, v1;
	v11 =	vmul.f32 $1.442695020e+00, v5  }
0x202: {  	vm7 =	veq.s32 v62, v30  }
0x203: {  	vm8 =	veq.s32 v62, v31;
	v9 =	vnsel vm7, $0x0, v9;
	(erf) = vpow2.f32 v3;
	v3 =	vpop (erf)  }
0x204: {  	v0 =	vadd.f32 v9, v0;
	v9 =	vmul.f32 $1.442695020e+00, v10;
	v1 =	vadd.f32 v3, v1;
	v3 =	vld [tilespmem:s26+$0xC20]  }
0x205: {  	v7 =	vnsel vm8, $0x0, v7;
	(erf) = vpow2.f32 v11;
	v11 =	vpop (erf)  }
0x206: {  	v0 =	vadd.f32 v7, v0;
	v7 =	vld [tilespmem:s26+$0xC30];
	v1 =	vadd.f32 v11, v1;
	v11 =	vmul.f32 $1.442695020e+00, v8  }
0x207: {  	vm9 =	veq.s32 v62, v32  }
0x208: {  	vm10 =	veq.s32 v62, v33;
	v12 =	vnsel vm9, $0x0, v12;
	(erf) = vpow2.f32 v9;
	v9 =	vpop (erf)  }
0x209: {  	v0 =	vadd.f32 v12, v0;
	v12 =	vld [tilespmem:s26+$0xC40];
	v1 =	vadd.f32 v9, v1;
	v9 =	vmul.f32 $1.442695020e+00, v3  }
0x20a: {  	v2 =	vnsel vm10, $0x0, v2;
	(erf) = vpow2.f32 v11;
	v11 =	vpop (erf)  }
0x20b: {  	v0 =	vadd.f32 v2, v0;
	v2 =	vld [tilespmem:s26+$0xC50];
	v1 =	vadd.f32 v11, v1;
	v11 =	vmul.f32 $1.442695020e+00, v7  }
0x20c: {  	vm11 =	veq.s32 v62, v34  }
0x20d: {  	vm12 =	veq.s32 v62, v35;
	v4 =	vnsel vm11, $0x0, v4;
	(erf) = vpow2.f32 v9;
	v9 =	vpop (erf)  }
0x20e: {  	v0 =	vadd.f32 v4, v0;
	v1 =	vadd.f32 v9, v1;
	v9 =	vmul.f32 $1.442695020e+00, v12  }
0x20f: {  	v6 =	vnsel vm12, $0x0, v6;
	(erf) = vpow2.f32 v11;
	v11 =	vpop (erf)  }
0x210: {  	v0 =	vadd.f32 v6, v0;
	v6 =	vld [tilespmem:s26+$0xC70];
	v1 =	vadd.f32 v11, v1;
	v11 =	vmul.f32 $1.442695020e+00, v2  }
0x211: {  	vm13 =	veq.s32 v62, v36;
	v4 =	vld [tilespmem:s26+$0xC60]  }
0x212: {  	vm14 =	veq.s32 v62, v37;
	v5 =	vnsel vm13, $0x0, v5;
	(erf) = vpow2.f32 v9;
	v9 =	vpop (erf)  }
0x213: {  	vm15 =	veq.s32 v62, v38;
	v0 =	vadd.f32 v5, v0;
	v5 =	vld [tilespmem:s26+$0x1000];
	v1 =	vadd.f32 v9, v1  }
0x214: {  	v10 =	vnsel vm14, $0x0, v10;
	v8 =	vnsel vm15, $0x0, v8;
	(erf) = vpow2.f32 v11;
	v11 =	vpop (erf)  }
0x215: {  	v0 =	vadd.f32 v10, v0;
	v10 =	vld [tilespmem:s26+$0x1010];
	v1 =	vadd.f32 v11, v1;
	v11 =	vmul.f32 $1.442695020e+00, v6  }
0x216: {  	v9 =	vmul.f32 $1.442695020e+00, v4  }
0x217: {  	vm4 =	veq.s32 v62, v39;
	v0 =	vadd.f32 v8, v0;
	v8 =	vpop (erf)  }
0x218: {  	(erf) = vpow2.f32 v9;
	v9 =	vld [tilespmem:s26+$0x1020];
	v1 =	vadd.f32 v8, v1;
	v8 =	vmul.f32 $1.442695020e+00, v5  }
0x219: {  	v3 =	vnsel vm4, $0x0, v3;
	(erf) = vpow2.f32 v11;
	v11 =	vpop (erf)  }
0x21a: {  	v0 =	vadd.f32 v3, v0;
	v3 =	vld [tilespmem:s26+$0x1030];
	v1 =	vadd.f32 v11, v1;
	v11 =	vmul.f32 $1.442695020e+00, v10  }
0x21b: {  	vm5 =	veq.s32 v62, v40  }
0x21c: {  	vm6 =	veq.s32 v62, v41;
	v7 =	vnsel vm5, $0x0, v7;
	(erf) = vpow2.f32 v8;
	v8 =	vpop (erf)  }
0x21d: {  	v0 =	vadd.f32 v7, v0;
	v1 =	vadd.f32 v8, v1;
	v8 =	vmul.f32 $1.442695020e+00, v9  }
0x21e: {  	vm7 =	veq.s32 v62, v42;
	v7 =	vld [tilespmem:s26+$0x1040];
	v12 =	vnsel vm6, $0x0, v12;
	(erf) = vpow2.f32 v11;
	v11 =	vpop (erf)  }
0x21f: {  	v0 =	vadd.f32 v12, v0;
	v12 =	vld [tilespmem:s26+$0x1050];
	v1 =	vadd.f32 v11, v1;
	v11 =	vmul.f32 $1.442695020e+00, v3  }
0x220: {  	vm8 =	veq.s32 v62, v43;
	v2 =	vnsel vm7, $0x0, v2  }
0x221: {  	vm9 =	veq.s32 v62, v44;
	v0 =	vadd.f32 v2, v0;
	v2 =	vld [tilespmem:s26+$0x1060];
	(erf) = vpow2.f32 v8;
	v8 =	vpop (erf)  }
0x222: {  	v4 =	vnsel vm8, $0x0, v4;
	v6 =	vnsel vm9, $0x0, v6;
	v1 =	vadd.f32 v8, v1  }
0x223: {  	v0 =	vadd.f32 v4, v0;
	(erf) = vpow2.f32 v11;
	v11 =	vpop (erf)  }
0x224: {  	v4 =	vld [tilespmem:s26+$0x1070];
	v8 =	vmul.f32 $1.442695020e+00, v7;
	v1 =	vadd.f32 v11, v1;
	v11 =	vmul.f32 $1.442695020e+00, v12  }
0x225: {  	v0 =	vadd.f32 v6, v0;
	v6 =	vpop (erf)  }
0x226: {  	(erf) = vpow2.f32 v8;
	v8 =	vld [tilespmem:s26+$0x1400];
	v1 =	vadd.f32 v6, v1;
	v6 =	vmul.f32 $1.442695020e+00, v2  }
0x227: {  	vm10 =	veq.s32 v62, v45  }
0x228: {  	vm11 =	veq.s32 v62, v46;
	v5 =	vnsel vm10, $0x0, v5;
	(erf) = vpow2.f32 v11;
	v11 =	vpop (erf)  }
0x229: {  	v0 =	vadd.f32 v5, v0;
	v5 =	vld [tilespmem:s26+$0x1410];
	v1 =	vadd.f32 v11, v1;
	v11 =	vmul.f32 $1.442695020e+00, v4  }
0x22a: {  	v10 =	vnsel vm11, $0x0, v10;
	(erf) = vpow2.f32 v6;
	v6 =	vpop (erf)  }
0x22b: {  	v0 =	vadd.f32 v10, v0;
	v10 =	vld [tilespmem:s26+$0x1420];
	v1 =	vadd.f32 v6, v1;
	v6 =	vmul.f32 $1.442695020e+00, v8  }
0x22c: {  	vm12 =	veq.s32 v62, v47  }
0x22d: {  	vm13 =	veq.s32 v62, v48;
	v9 =	vnsel vm12, $0x0, v9;
	(erf) = vpow2.f32 v11;
	v11 =	vpop (erf)  }
0x22e: {  	v0 =	vadd.f32 v9, v0;
	v9 =	vld [tilespmem:s26+$0x1430];
	v1 =	vadd.f32 v11, v1;
	v11 =	vmul.f32 $1.442695020e+00, v5  }
0x22f: {  	v3 =	vnsel vm13, $0x0, v3;
	(erf) = vpow2.f32 v6;
	v6 =	vpop (erf)  }
0x230: {  	v0 =	vadd.f32 v3, v0;
	v3 =	vld [tilespmem:s26+$0x1440];
	v1 =	vadd.f32 v6, v1;
	v6 =	vmul.f32 $1.442695020e+00, v10  }
0x231: {  	vm14 =	veq.s32 v62, v49  }
0x232: {  	vm15 =	veq.s32 v62, v50;
	v7 =	vnsel vm14, $0x0, v7;
	(erf) = vpow2.f32 v11;
	v11 =	vpop (erf)  }
0x233: {  	v0 =	vadd.f32 v7, v0;
	v7 =	vld [tilespmem:s26+$0x1450];
	v1 =	vadd.f32 v11, v1;
	v11 =	vmul.f32 $1.442695020e+00, v9  }
0x234: {  	v12 =	vnsel vm15, $0x0, v12;
	(erf) = vpow2.f32 v6;
	v6 =	vpop (erf)  }
0x235: {  	v0 =	vadd.f32 v12, v0;
	v12 =	vld [tilespmem:s26+$0x1460];
	v1 =	vadd.f32 v6, v1;
	v6 =	vmul.f32 $1.442695020e+00, v3  }
0x236: {  	vm4 =	veq.s32 v62, v51  }
0x237: {  	vm5 =	veq.s32 v62, v52;
	v2 =	vnsel vm4, $0x0, v2;
	(erf) = vpow2.f32 v11;
	v11 =	vpop (erf)  }
0x238: {  	v0 =	vadd.f32 v2, v0;
	v2 =	vld [tilespmem:s26+$0x1470];
	v1 =	vadd.f32 v11, v1;
	v11 =	vmul.f32 $1.442695020e+00, v7  }
0x239: {  	v4 =	vnsel vm5, $0x0, v4;
	(erf) = vpow2.f32 v6;
	v6 =	vpop (erf)  }
0x23a: {  	v0 =	vadd.f32 v4, v0;
	v4 =	vld [tilespmem:s26+$0x1800];
	v1 =	vadd.f32 v6, v1;
	v6 =	vmul.f32 $1.442695020e+00, v12  }
0x23b: {  	vm6 =	veq.s32 v62, v53  }
0x23c: {  	vm7 =	veq.s32 v62, v54;
	v8 =	vnsel vm6, $0x0, v8;
	(erf) = vpow2.f32 v11;
	v11 =	vpop (erf)  }
0x23d: {  	v0 =	vadd.f32 v8, v0;
	v8 =	vld [tilespmem:s26+$0x1810];
	v1 =	vadd.f32 v11, v1;
	v11 =	vmul.f32 $1.442695020e+00, v2  }
0x23e: {  	v5 =	vnsel vm7, $0x0, v5;
	(erf) = vpow2.f32 v6;
	v6 =	vpop (erf)  }
0x23f: {  	v0 =	vadd.f32 v5, v0;
	v5 =	vld [tilespmem:s26+$0x1820];
	v1 =	vadd.f32 v6, v1;
	v6 =	vmul.f32 $1.442695020e+00, v4  }
0x240: {  	vm8 =	veq.s32 v62, v55  }
0x241: {  	vm9 =	veq.s32 v62, v56;
	v10 =	vnsel vm8, $0x0, v10;
	(erf) = vpow2.f32 v11;
	v11 =	vpop (erf)  }
0x242: {  	v0 =	vadd.f32 v10, v0;
	v10 =	vld [tilespmem:s26+$0x1830];
	v1 =	vadd.f32 v11, v1;
	v11 =	vmul.f32 $1.442695020e+00, v8  }
0x243: {  	v9 =	vnsel vm9, $0x0, v9;
	(erf) = vpow2.f32 v6;
	v6 =	vpop (erf)  }
0x244: {  	v0 =	vadd.f32 v9, v0;
	v9 =	vld [tilespmem:s26+$0x1840];
	v1 =	vadd.f32 v6, v1;
	v6 =	vmul.f32 $1.442695020e+00, v5  }
0x245: {  	vm10 =	veq.s32 v62, v57  }
0x246: {  	vm11 =	veq.s32 v62, v58;
	v3 =	vnsel vm10, $0x0, v3;
	(erf) = vpow2.f32 v11;
	v11 =	vpop (erf)  }
0x247: {  	v0 =	vadd.f32 v3, v0;
	v3 =	vld [tilespmem:s26+$0x1850];
	v1 =	vadd.f32 v11, v1;
	v11 =	vmul.f32 $1.442695020e+00, v10  }
0x248: {  	v7 =	vnsel vm11, $0x0, v7;
	(erf) = vpow2.f32 v6;
	v6 =	vpop (erf)  }
0x249: {  	s21 =	sadd.s32 $0x1, s21;
	v0 =	vadd.f32 v7, v0;
	v7 =	vld [tilespmem:s26+$0x1860];
	v1 =	vadd.f32 v6, v1;
	v6 =	vmul.f32 $1.442695020e+00, v9  }
0x24a: {  	s21 =	sand.u32 $0x7, s21;
	vm12 =	veq.s32 v62, v59  }
0x24b: {  	v63 =	vld [tilespmem:$0x1FEA0];
	s21 =	sshll.u32 s21, $0x7;
	vm13 =	veq.s32 v62, v60;
	v12 =	vnsel vm12, $0x0, v12;
	(erf) = vpow2.f32 v11;
	v11 =	vpop (erf)  }
0x24c: {  	s21 =	sadd.s32 s21, s25;
	v0 =	vadd.f32 v12, v0;
	v12 =	vld [tilespmem:s26+$0x1870];
	v1 =	vadd.f32 v11, v1;
	v11 =	vmul.f32 $1.442695020e+00, v3  }
0x24d: {  	s31 =	sor.u32 $0x1C00, s21;
	v2 =	vnsel vm13, $0x0, v2;
	(erf) = vpow2.f32 v6;
	v6 =	vpop (erf)  }
0x24e: {  	v0 =	vadd.f32 v2, v0;
	v2 =	vld [tilespmem:s31+$0x0];
	v1 =	vadd.f32 v6, v1;
	v6 =	vmul.f32 $1.442695020e+00, v7  }
0x24f: {  	vm14 =	veq.s32 v62, v61  }
0x250: {  	s25 =	sor.u32 $0x1C10, s21;
	vm15 =	veq.s32 v62, v63;
	v4 =	vnsel vm14, $0x0, v4;
	(erf) = vpow2.f32 v11;
	v11 =	vpop (erf)  }
0x251: {  	v0 =	vadd.f32 v4, v0;
	v4 =	vld [tilespmem:s25+$0x0];
	v1 =	vadd.f32 v11, v1;
	v11 =	vmul.f32 $1.442695020e+00, v12  }
0x252: {  	s26 =	sor.u32 $0x1C20, s21;
	v8 =	vnsel vm15, $0x0, v8;
	(erf) = vpow2.f32 v6;
	v6 =	vpop (erf)  }
0x253: {  	v0 =	vadd.f32 v8, v0;
	v8 =	vld [tilespmem:s26+$0x0];
	v1 =	vadd.f32 v6, v1;
	v6 =	vmul.f32 $1.442695020e+00, v2;
	_ =	sdelay $0x1  }
0x254: {  	(erf) = vpow2.f32 v11;
	v11 =	vpop (erf)  }
0x255: {  	v1 =	vadd.f32 v11, v1;
	v11 =	vmul.f32 $1.442695020e+00, v4  }
0x256: {  	(erf) = vpow2.f32 v6;
	v6 =	vpop (erf)  }
0x257: {  	v14 =	vld [tilespmem:$0x1FEF0];
	v1 =	vadd.f32 v6, v1;
	v6 =	vmul.f32 $1.442695020e+00, v8  }
0x258: {  	v18 =	vld [tilespmem:$0x1FEB0]  }
0x259: {  	(erf) = vpow2.f32 v11;
	v11 =	vpop (erf)  }
0x25a: {  	v17 =	vld [tilespmem:$0x1FEC0];
	v1 =	vadd.f32 v11, v1  }
0x25b: {  	(erf) = vpow2.f32 v6;
	v6 =	vpop (erf)  }
0x25c: {  	v16 =	vld [tilespmem:$0x1FED0];
	vm8 =	veq.s32 v62, v14;
	v1 =	vadd.f32 v6, v1  }
0x25d: {  	v15 =	vld [tilespmem:$0x1FEE0];
	vm4 =	veq.s32 v62, v18;
	v6 =	vnsel vm8, $0x0, v7;
	v7 =	vpop (erf)  }
0x25e: {  	v5 =	vnsel vm4, $0x0, v5;
	v1 =	vadd.f32 v7, v1;
	v7 =	vld [tilespmem:$0x1FF00]  }
0x25f: {  	vm5 =	veq.s32 v62, v17;
	v0 =	vadd.f32 v5, v0  }
0x260: {  	v10 =	vnsel vm5, $0x0, v10  }
0x261: {  	vm6 =	veq.s32 v62, v16;
	v0 =	vadd.f32 v10, v0  }
0x262: {  	v9 =	vnsel vm6, $0x0, v9  }
0x263: {  	s28 =	sor.u32 $0x1C30, s21;
	vm7 =	veq.s32 v62, v15;
	v0 =	vadd.f32 v9, v0;
	vm9 =	veq.s32 v62, v7;
	v7 =	vld [tilespmem:$0x1FF10]  }
0x264: {  	v5 =	vld [tilespmem:s28+$0x0];
	v3 =	vnsel vm7, $0x0, v3  }
0x265: {  	v0 =	vadd.f32 v3, v0;
	_ =	sdelay $0x1  }
0x266: {  	v0 =	vadd.f32 v6, v0;
	v6 =	vnsel vm9, $0x0, v12;
	v12 =	vld [tilespmem:$0x1FF20]  }
0x267: {  	vm10 =	veq.s32 v62, v7  }
0x268: {  	s29 =	sor.u32 $0x1C40, s21;
	v11 =	vmul.f32 $1.442695020e+00, v5;
	v2 =	vnsel vm10, $0x0, v2  }
0x269: {  	v10 =	vld [tilespmem:s29+$0x0];
	v0 =	vadd.f32 v6, v0;
	v6 =	vpop (erf)  }
0x26a: {  	(erf) = vpow2.f32 v11;
	v1 =	vadd.f32 v6, v1;
	v6 =	vld [tilespmem:$0x1FF30]  }
0x26b: {  	vm11 =	veq.s32 v62, v12;
	v0 =	vadd.f32 v2, v0;
	v2 =	vpop (erf)  }
0x26c: {  	v1 =	vadd.f32 v2, v1;
	v2 =	vnsel vm11, $0x0, v4;
	_ =	sdelay $0x1  }
0x26d: {  	s21 =	sor.u32 $0x1C50, s21;
	v3 =	vmul.f32 $1.442695020e+00, v10;
	v4 =	vld [tilespmem:$0x1FF40]  }
0x26e: {  	v9 =	vld [tilespmem:s21+$0x0];
	vm12 =	veq.s32 v62, v6;
	v0 =	vadd.f32 v2, v0;
	v2 =	vpop (erf)  }
0x26f: {  	(erf) = vpow2.f32 v3;
	v1 =	vadd.f32 v2, v1;
	v2 =	vnsel vm12, $0x0, v8;
	_ =	sdelay $0x2  }
0x270: {  	v0 =	vadd.f32 v2, v0;
	vm13 =	veq.s32 v62, v4;
	v2 =	vpop (erf)  }
0x271: {  	v3 =	vmul.f32 $1.442695020e+00, v9;
	v1 =	vadd.f32 v2, v1;
	v2 =	vnsel vm13, $0x0, v5;
	v5 =	vld [tilespmem:$0x1FF50];
	_ =	sdelay $0x1  }
0x272: {  	(erf) = vpow2.f32 v3;
	_ =	sdelay $0x2  }
0x273: {  	v0 =	vadd.f32 v2, v0;
	v2 =	vpop (erf);
	vm14 =	veq.s32 v62, v5  }
0x274: {  	v1 =	vadd.f32 v2, v1;
	v2 =	vnsel vm14, $0x0, v10;
	v10 =	vld [tilespmem:$0x1FF60];
	_ =	sdelay $0x4  }
0x275: {  	v0 =	vadd.f32 v2, v0;
	v2 =	vpop (erf);
	vm15 =	veq.s32 v62, v10  }
0x276: {  	v1 =	vadd.f32 v2, v1;
	v2 =	vnsel vm15, $0x0, v9  }
0x277: {  	v0 =	vadd.f32 v2, v0  }
0x278: {  	v1 =	vadd.f32 $0.0e+00, v1  }
0x279: {  	s30 =	sadd.s32 $0x10, s24;
	p1 =	sgt.u32 s18, $0x5;
	v0 =	vadd.f32 $0.0e+00, v0  }
0x27a: {  	s22 =	sshll.u32 @!p1 s18, $0xB;
	s19 =	sshll.u32 @!p1 s19, $0xE;
	v59 =	vmov v60;
	v60 =	vmov v61;
	s31 =	sadd.s32 $0x10, s23;
	[tilespmem:s30+$0x0] =	vst v1  }
0x27b: {  	s18 =	sadd.s32 $0x1, s18;
	s21 =	sadd.s32 @!p1 s22, s7;
	s22 =	simm.s32 @!p1 $0x0;
	v8 =	vmovc v12;
	v9 =	vmovc v19;
	v19 =	vmov v20;
	v20 =	vmov v21;
	v21 =	vmov v22;
	[tilespmem:s31+$0x0] =	vst v0  }
0x27c: {  	v22 =	vmovc v23;
	v23 =	vmovc v24;
	v24 =	vmov v25;
	v25 =	vmov v26;
	v26 =	vmov v27;
	[tilespmem:s19], [sflag:s20] =	stream.linear.gather @!p1 [hbm4b:s21+s22], $0x4000, $0x38;
	[tilespmem:$0x9080] =	vst v63  }
0x27d: {  	v1 =	vmovc v28;
	p1 =	sne.s32 s18, $0x8;
	v0 =	vmovc v29;
	v29 =	vmov v30;
	v30 =	vmov v31;
	v31 =	vmov v32  }
.Ltmp1:
0x27e: {  	v18 =	vld [tilespmem:$0x1FF90];
	v32 =	vmovc v33;
	v33 =	vmovc v34;
	v34 =	vmov v35;
	v35 =	vmov v36;
	v36 =	vmov v37;
	(pc) =	sbr.rel @p1 .LBB2_2-.Ltmp1, $4  }
0x27f: {  	v12 =	vld [tilespmem:$0x1FF80];
	v37 =	vmovc v38;
	v38 =	vmovc v39;
	v39 =	vmov v40;
	v40 =	vmov v41;
	v41 =	vmov v42  }
0x280: {  	v62 =	vld [tilespmem:$0x1FFB0];
	v42 =	vmovc v43;
	v43 =	vmovc v44;
	v44 =	vmov v45;
	v45 =	vmov v46;
	v46 =	vmov v47  }
0x281: {  	v27 =	vld [tilespmem:$0x1FFA0];
	v47 =	vmovc v48;
	v48 =	vmovc v49;
	v49 =	vmov v50;
	v50 =	vmov v51;
	v51 =	vmov v52  }
0x282: {  	p0 =	por !p0, !p0;
	s17 =	sadd.s32 $0x100, s17;
	s16 =	sadd.s32 $0x100, s16;
	v28 =	vld [tilespmem:$0x1FF70];
	v52 =	vmovc v53;
	v53 =	vmovc v54;
	v54 =	vmov v55;
	v55 =	vmov v56;
	v56 =	vmov v57  }
0x283: {  	[hbm4b:s6+s2] =	stream.linear.scatter [tilespmem:s13], [sflag:$0x3], $0x800, $0x38;
	[tilespmem:$0x9080] =	vst v63  }
0x284: {  	s15 =	sadd.s32 $0x1, s15;
	_ =	swait.ge [sflag:s11], $0x800  }
0x285: {  	p0 =	sne.s32 s15, s9;
	[sflag:s11] =	ssyncset.done $0x0  }
.Ltmp2:
0x286: {  	[sflag:s11] =	ssyncadd.s32 $0xFFFFF800;
	(pc) =	sbr.rel @p0 .LBB2_1-.Ltmp2, $4  }
0x287: {  	[hbm4b:s8+s2] =	stream.linear.scatter [tilespmem:s14], [sflag:$0x3], $0x800, $0x38;
	[tilespmem:$0x9080] =	vst v63  }
0x288: {  	_ =	swait.ge [sflag:s11], $0x800  }
0x289: {  	[sflag:s11] =	ssyncset.done $0x0  }
0x28a: {  	v3 =	vmov v29;
	v11 =	vmov v0;
	[sflag:s11] =	ssyncadd.s32 $0xFFFFF800  }
0x28b: {  	_ =	sfence.sel $0x180000  }
0x28c: {  	[bflag:$0x0] =	sbarrier.arrive $0xFFFF  }
0x28d: {  	p0 =	sne.s32 s0, $0x0;
	_ =	strace $0x90000047  }
0x28e: {  	s0 =	sadd.s32 @!p0 $0x100000, s1;
	[bflag:$0x2] =	sbarrier.arrive $0xFFFF  }
0x28f: {  	[sflag:s0] =	ssyncadd.tile.s32 @!p0 $0x1;
	_ =	shalt  }
.Lfunc_end2:
_tile_overlayer_lowered:
.L_overlay_start_2:
0x290: {  	(tag) =	ssettag $0x2  }
0x291: {  	s0 =	rddreg [dreg:$0x0];
	s2 =	stileid.u32  }
0x292: {  	s1 =	rddreg [dreg:$0x1];
	p0 =	sne.s32 s2, $0x0  }
0x293: {  	s3 =	rddreg [dreg:$0x2];
	[bflag:$0x3] =	sbarrier.arrive $0xFFFF;
	s2 =	simm.s32 @!p0 $0x1C03  }
0x294: {  	[timem:s3], [sflag:s2] =	dma.local @!p0 [hbm:s0], s1  }
0x295: {  	s0 =	simm.s32 @!p0 $0x3  }
0x296: {  	_ =	swait.ge @!p0 [sflag:s0], s1  }
0x297: {  	s1 =	ssub.s32 @!p0 $0x0, s1;
	[sflag:s0] =	ssyncset.done @!p0 $0x0  }
0x298: {  	[sflag:s0] =	ssyncadd.s32 @!p0 s1  }
0x299: {  	[bflag:$0x3] =	sbarrier.arrive $0xFFFF  }
0x29a: {  	_ =	shalt  }

</sc_bundles>
